<compile_context>
chip_gen: v7x
topology: tpu7x:2x2x1
jax: 0.10.2.dev20260603
libtpu: 0.0.44.dev20260713+nightly
codegen_flags: <defaults>
</compile_context>

<pallas_src>
import functools

import jax
import jax.numpy as jnp
from jax import lax
from jax.experimental import pallas as pl
from jax.experimental.pallas import tpu as pltpu
from jax.experimental.pallas import tpu_sc as plsc

N_EMBED = 128
BATCH = 4096
HIST = 50
NC = 2
NS = 16
NW = NC * NS
NCH = 1
CB = BATCH // NCH
BPW = CB // NW
K = 2
NSB = BPW // K
NBUF = 8
HP = 56

_mesh = plsc.VectorSubcoreMesh(core_axis_name="c", subcore_axis_name="s")


@functools.partial(
    pl.kernel,
    out_type=jax.ShapeDtypeStruct((CB, HIST, N_EMBED), jnp.float32),
    mesh=_mesh,
    scratch_types=[
        pltpu.VMEM((BPW, HIST), jnp.int32),
        [pltpu.VMEM((K, HIST, N_EMBED), jnp.float32) for _ in range(NBUF)],
        [pltpu.SemaphoreType.DMA for _ in range(NBUF)],
        [pltpu.SemaphoreType.DMA for _ in range(NBUF)],
    ],
)
def _gather_chunk(idx_hbm, table_hbm, out_hbm, idx_v, bufs, gsems, psems):
    wid = lax.axis_index("s") * NC + lax.axis_index("c")
    b0 = wid * BPW
    pltpu.sync_copy(idx_hbm.at[pl.ds(b0, BPW)], idx_v)

    def fire(s, r):
        for i in range(K):
            pltpu.async_copy(table_hbm.at[idx_v.at[s * K + i]], bufs[r].at[i],
                             gsems[r])

    def drain(s, r):
        for i in range(K):
            pltpu.make_async_copy(table_hbm.at[idx_v.at[s * K + i]],
                                  bufs[r].at[i], gsems[r]).wait()

    def fire_put(s, r):
        return pltpu.async_copy(bufs[r], out_hbm.at[pl.ds(b0 + s * K, K)],
                                psems[r])

    def wait_put(s, r):
        pltpu.make_async_copy(bufs[r], out_hbm.at[pl.ds(b0 + s * K, K)],
                              psems[r]).wait()

    for r in range(NBUF - 1):
        fire(r, r)

    def outer(t, carry):
        for r in range(NBUF):
            s = t * NBUF + r
            drain(s, r)
            fire_put(s, r)

            @pl.when(s >= 1)
            def _():
                wait_put(s - 1, (r + NBUF - 1) % NBUF)

            @pl.when(s + NBUF - 1 < NSB)
            def _():
                fire(s + NBUF - 1, (r + NBUF - 1) % NBUF)

        return carry

    lax.fori_loop(0, NSB // NBUF, outer, 0)
    wait_put(NSB - 1, (NSB - 1) % NBUF)


def kernel(input, embedding):
    return _gather_chunk(input.astype(jnp.int32), embedding)

# --- scband reference (transcript-rebuilt; emitter-appended) ---
"""Pipeline reference for scband-embedding-layer-25374666785389 (READ-ONLY COPY).

The authoritative reference and input builder live on the scoring server;
editing this copy changes nothing except your own understanding.
"""

import jax, jax.numpy as jnp
import numpy as np

N_VOCAB = 100000
N_EMBED = 128
BATCH = 4096
HIST = 50

def setup_inputs(seed: int = 0) -> dict:
    key = jax.random.key(seed)
    k1, k2 = jax.random.split(key)
    inp = jax.random.randint(k1, (BATCH, HIST), 0, N_VOCAB, dtype=jnp.int64 if jax.config.jax_enable_x64 else jnp.int32)
    embedding = jax.random.normal(k2, (N_VOCAB, N_EMBED), dtype=jnp.float32)
    return {"input": inp, "embedding": embedding}

def reference(input, embedding):
    # nn.Embedding forward: gather rows of the table by index
    return jnp.take(embedding, input, axis=0)

if __name__ == "__main__":
    import jax
    _d = setup_inputs()
    print(jax.jit(kernel)(*tuple(_d.values())))

</pallas_src>

<mosaic_0001>
#map = affine_map<(d0, d1) -> (0, 0)>
#map1 = affine_map<(d0, d1) -> (0, 0, 0)>
module attributes {stable_mosaic.version = 14 : i64} {
  func.func @_gather_chunk(%arg0: i32, %arg1: i32, %arg2: memref<4096x50xi32, #tpu.memory_space<hbm>>, %arg3: memref<100000x128xf32, #tpu.memory_space<hbm>>, %arg4: memref<4096x50x128xf32, #tpu.memory_space<hbm>>, %arg5: memref<128x50xi32, #tpu.memory_space<vmem>>, %arg6: memref<2x50x128xf32, #tpu.memory_space<vmem>>, %arg7: memref<2x50x128xf32, #tpu.memory_space<vmem>>, %arg8: memref<2x50x128xf32, #tpu.memory_space<vmem>>, %arg9: memref<2x50x128xf32, #tpu.memory_space<vmem>>, %arg10: memref<2x50x128xf32, #tpu.memory_space<vmem>>, %arg11: memref<2x50x128xf32, #tpu.memory_space<vmem>>, %arg12: memref<2x50x128xf32, #tpu.memory_space<vmem>>, %arg13: memref<2x50x128xf32, #tpu.memory_space<vmem>>, %arg14: memref<!tpu.dma_semaphore, #tpu.memory_space<semaphore_mem>>, %arg15: memref<!tpu.dma_semaphore, #tpu.memory_space<semaphore_mem>>, %arg16: memref<!tpu.dma_semaphore, #tpu.memory_space<semaphore_mem>>, %arg17: memref<!tpu.dma_semaphore, #tpu.memory_space<semaphore_mem>>, %arg18: memref<!tpu.dma_semaphore, #tpu.memory_space<semaphore_mem>>, %arg19: memref<!tpu.dma_semaphore, #tpu.memory_space<semaphore_mem>>, %arg20: memref<!tpu.dma_semaphore, #tpu.memory_space<semaphore_mem>>, %arg21: memref<!tpu.dma_semaphore, #tpu.memory_space<semaphore_mem>>, %arg22: memref<!tpu.dma_semaphore, #tpu.memory_space<semaphore_mem>>, %arg23: memref<!tpu.dma_semaphore, #tpu.memory_space<semaphore_mem>>, %arg24: memref<!tpu.dma_semaphore, #tpu.memory_space<semaphore_mem>>, %arg25: memref<!tpu.dma_semaphore, #tpu.memory_space<semaphore_mem>>, %arg26: memref<!tpu.dma_semaphore, #tpu.memory_space<semaphore_mem>>, %arg27: memref<!tpu.dma_semaphore, #tpu.memory_space<semaphore_mem>>, %arg28: memref<!tpu.dma_semaphore, #tpu.memory_space<semaphore_mem>>, %arg29: memref<!tpu.dma_semaphore, #tpu.memory_space<semaphore_mem>>) attributes {dimension_semantics = [#tpu.dimension_semantics<core_parallel>, #tpu.dimension_semantics<subcore_parallel>], iteration_bounds = array<i64: 2, 16>, scalar_prefetch = 0 : i64, scratch_operands = 25 : i64, tpu.core_type = #tpu.core_type<sc_vector_subcore>, window_params = [{transform_indices = #map}, {transform_indices = #map}, {transform_indices = #map1}]} {
    %mul3A = arith.constant 2 : i32
    %mul3A_0 = arith.muli %arg1, %mul3A : i32
    %add3A = arith.addi %mul3A_0, %arg0 : i32
    %mul3A_1 = arith.constant 128 : i32
    %mul3A_2 = arith.muli %add3A, %mul3A_1 : i32
    "tpu.region"() ({
      %run_scoped3A = tpu.sem_alloc : memref<!tpu.dma_semaphore, #tpu.memory_space<semaphore_mem>>
      %dma_start3A_182 = arith.constant 0 : i32
      %dma_start3A_183 = tpu.memref_slice %arg2[%mul3A_2, %dma_start3A_182] : memref<4096x50xi32, #tpu.memory_space<hbm>> -> memref<128x50xi32, #tpu.memory_space<hbm>>
      %dma_start3A_184 = arith.constant 0 : i32
      %dma_start3A_185 = tpu.memref_slice %arg2[%mul3A_2, %dma_start3A_184] : memref<4096x50xi32, #tpu.memory_space<hbm>> -> memref<128x50xi32, #tpu.memory_space<hbm>>
      tpu.enqueue_dma source(%dma_start3A_185 : memref<128x50xi32, #tpu.memory_space<hbm>>) target(%arg5 : memref<128x50xi32, #tpu.memory_space<vmem>>) target_semaphore(%run_scoped3A : memref<!tpu.dma_semaphore, #tpu.memory_space<semaphore_mem>>)
      %dma_wait3A_186 = arith.constant 0 : i32
      %dma_wait3A_187 = tpu.memref_slice %arg2[%mul3A_2, %dma_wait3A_186] : memref<4096x50xi32, #tpu.memory_space<hbm>> -> memref<128x50xi32, #tpu.memory_space<hbm>>
      %dma_wait3A_188 = arith.constant 0 : i32
      %dma_wait3A_189 = tpu.memref_slice %arg2[%mul3A_2, %dma_wait3A_188] : memref<4096x50xi32, #tpu.memory_space<hbm>> -> memref<128x50xi32, #tpu.memory_space<hbm>>
      tpu.wait_dma2 semaphore(%run_scoped3A : memref<!tpu.dma_semaphore, #tpu.memory_space<semaphore_mem>>) src(%dma_wait3A_189 : memref<128x50xi32, #tpu.memory_space<hbm>>) dst(%arg5 : memref<128x50xi32, #tpu.memory_space<vmem>>)
      tpu.yield
    }) : () -> ()
    %dma_start3A = arith.constant 0 : i32
    %dma_start3A_3 = arith.constant 0 : i32
    %dma_start3A_4 = arith.constant 0 : i32
    %dma_start3A_5 = arith.constant 0 : i32
    %dma_start3A_6 = tpu.memref_slice %arg6[%dma_start3A_3, %dma_start3A_4, %dma_start3A_5] : memref<2x50x128xf32, #tpu.memory_space<vmem>> -> memref<1x50x128xf32, #tpu.memory_space<vmem>>
    %dma_start3A_7 = tpu.memref_squeeze %dma_start3A_6 : memref<1x50x128xf32, #tpu.memory_space<vmem>> -> memref<50x128xf32, #tpu.memory_space<vmem>>
    %dma_start3A_8 = arith.constant 0 : i32
    %dma_start3A_9 = tpu.memref_slice %arg5[%dma_start3A, %dma_start3A_8] : memref<128x50xi32, #tpu.memory_space<vmem>> -> memref<1x50xi32, #tpu.memory_space<vmem>>
    %dma_start3A_10 = tpu.memref_squeeze %dma_start3A_9 : memref<1x50xi32, #tpu.memory_space<vmem>> -> memref<50xi32, #tpu.memory_space<vmem>>
    %dma_start3A_11 = arith.constant 0 : i32
    %dma_start3A_12 = arith.constant 0 : i32
    %dma_start3A_13 = tpu.memref_slice %arg3[%dma_start3A_11, %dma_start3A_12] : memref<100000x128xf32, #tpu.memory_space<hbm>> -> memref<100000x128xf32, #tpu.memory_space<hbm>>
    tpu.enqueue_indirect_dma source(%dma_start3A_13 : memref<100000x128xf32, #tpu.memory_space<hbm>>) target(%dma_start3A_7 : memref<50x128xf32, #tpu.memory_space<vmem>>) offsets(%dma_start3A_10 : memref<50xi32, #tpu.memory_space<vmem>>) semaphore(%arg14 : memref<!tpu.dma_semaphore, #tpu.memory_space<semaphore_mem>>)
    %dma_start3A_14 = arith.constant 1 : i32
    %dma_start3A_15 = arith.constant 1 : i32
    %dma_start3A_16 = arith.constant 0 : i32
    %dma_start3A_17 = arith.constant 0 : i32
    %dma_start3A_18 = tpu.memref_slice %arg6[%dma_start3A_15, %dma_start3A_16, %dma_start3A_17] : memref<2x50x128xf32, #tpu.memory_space<vmem>> -> memref<1x50x128xf32, #tpu.memory_space<vmem>>
    %dma_start3A_19 = tpu.memref_squeeze %dma_start3A_18 : memref<1x50x128xf32, #tpu.memory_space<vmem>> -> memref<50x128xf32, #tpu.memory_space<vmem>>
    %dma_start3A_20 = arith.constant 0 : i32
    %dma_start3A_21 = tpu.memref_slice %arg5[%dma_start3A_14, %dma_start3A_20] : memref<128x50xi32, #tpu.memory_space<vmem>> -> memref<1x50xi32, #tpu.memory_space<vmem>>
    %dma_start3A_22 = tpu.memref_squeeze %dma_start3A_21 : memref<1x50xi32, #tpu.memory_space<vmem>> -> memref<50xi32, #tpu.memory_space<vmem>>
    %dma_start3A_23 = arith.constant 0 : i32
    %dma_start3A_24 = arith.constant 0 : i32
    %dma_start3A_25 = tpu.memref_slice %arg3[%dma_start3A_23, %dma_start3A_24] : memref<100000x128xf32, #tpu.memory_space<hbm>> -> memref<100000x128xf32, #tpu.memory_space<hbm>>
    tpu.enqueue_indirect_dma source(%dma_start3A_25 : memref<100000x128xf32, #tpu.memory_space<hbm>>) target(%dma_start3A_19 : memref<50x128xf32, #tpu.memory_space<vmem>>) offsets(%dma_start3A_22 : memref<50xi32, #tpu.memory_space<vmem>>) semaphore(%arg14 : memref<!tpu.dma_semaphore, #tpu.memory_space<semaphore_mem>>)
    %dma_start3A_26 = arith.constant 2 : i32
    %dma_start3A_27 = arith.constant 0 : i32
    %dma_start3A_28 = arith.constant 0 : i32
    %dma_start3A_29 = arith.constant 0 : i32
    %dma_start3A_30 = tpu.memref_slice %arg7[%dma_start3A_27, %dma_start3A_28, %dma_start3A_29] : memref<2x50x128xf32, #tpu.memory_space<vmem>> -> memref<1x50x128xf32, #tpu.memory_space<vmem>>
    %dma_start3A_31 = tpu.memref_squeeze %dma_start3A_30 : memref<1x50x128xf32, #tpu.memory_space<vmem>> -> memref<50x128xf32, #tpu.memory_space<vmem>>
    %dma_start3A_32 = arith.constant 0 : i32
    %dma_start3A_33 = tpu.memref_slice %arg5[%dma_start3A_26, %dma_start3A_32] : memref<128x50xi32, #tpu.memory_space<vmem>> -> memref<1x50xi32, #tpu.memory_space<vmem>>
    %dma_start3A_34 = tpu.memref_squeeze %dma_start3A_33 : memref<1x50xi32, #tpu.memory_space<vmem>> -> memref<50xi32, #tpu.memory_space<vmem>>
    %dma_start3A_35 = arith.constant 0 : i32
    %dma_start3A_36 = arith.constant 0 : i32
    %dma_start3A_37 = tpu.memref_slice %arg3[%dma_start3A_35, %dma_start3A_36] : memref<100000x128xf32, #tpu.memory_space<hbm>> -> memref<100000x128xf32, #tpu.memory_space<hbm>>
    tpu.enqueue_indirect_dma source(%dma_start3A_37 : memref<100000x128xf32, #tpu.memory_space<hbm>>) target(%dma_start3A_31 : memref<50x128xf32, #tpu.memory_space<vmem>>) offsets(%dma_start3A_34 : memref<50xi32, #tpu.memory_space<vmem>>) semaphore(%arg15 : memref<!tpu.dma_semaphore, #tpu.memory_space<semaphore_mem>>)
    %dma_start3A_38 = arith.constant 3 : i32
    %dma_start3A_39 = arith.constant 1 : i32
    %dma_start3A_40 = arith.constant 0 : i32
    %dma_start3A_41 = arith.constant 0 : i32
    %dma_start3A_42 = tpu.memref_slice %arg7[%dma_start3A_39, %dma_start3A_40, %dma_start3A_41] : memref<2x50x128xf32, #tpu.memory_space<vmem>> -> memref<1x50x128xf32, #tpu.memory_space<vmem>>
    %dma_start3A_43 = tpu.memref_squeeze %dma_start3A_42 : memref<1x50x128xf32, #tpu.memory_space<vmem>> -> memref<50x128xf32, #tpu.memory_space<vmem>>
    %dma_start3A_44 = arith.constant 0 : i32
    %dma_start3A_45 = tpu.memref_slice %arg5[%dma_start3A_38, %dma_start3A_44] : memref<128x50xi32, #tpu.memory_space<vmem>> -> memref<1x50xi32, #tpu.memory_space<vmem>>
    %dma_start3A_46 = tpu.memref_squeeze %dma_start3A_45 : memref<1x50xi32, #tpu.memory_space<vmem>> -> memref<50xi32, #tpu.memory_space<vmem>>
    %dma_start3A_47 = arith.constant 0 : i32
    %dma_start3A_48 = arith.constant 0 : i32
    %dma_start3A_49 = tpu.memref_slice %arg3[%dma_start3A_47, %dma_start3A_48] : memref<100000x128xf32, #tpu.memory_space<hbm>> -> memref<100000x128xf32, #tpu.memory_space<hbm>>
    tpu.enqueue_indirect_dma source(%dma_start3A_49 : memref<100000x128xf32, #tpu.memory_space<hbm>>) target(%dma_start3A_43 : memref<50x128xf32, #tpu.memory_space<vmem>>) offsets(%dma_start3A_46 : memref<50xi32, #tpu.memory_space<vmem>>) semaphore(%arg15 : memref<!tpu.dma_semaphore, #tpu.memory_space<semaphore_mem>>)
    %dma_start3A_50 = arith.constant 4 : i32
    %dma_start3A_51 = arith.constant 0 : i32
    %dma_start3A_52 = arith.constant 0 : i32
    %dma_start3A_53 = arith.constant 0 : i32
    %dma_start3A_54 = tpu.memref_slice %arg8[%dma_start3A_51, %dma_start3A_52, %dma_start3A_53] : memref<2x50x128xf32, #tpu.memory_space<vmem>> -> memref<1x50x128xf32, #tpu.memory_space<vmem>>
    %dma_start3A_55 = tpu.memref_squeeze %dma_start3A_54 : memref<1x50x128xf32, #tpu.memory_space<vmem>> -> memref<50x128xf32, #tpu.memory_space<vmem>>
    %dma_start3A_56 = arith.constant 0 : i32
    %dma_start3A_57 = tpu.memref_slice %arg5[%dma_start3A_50, %dma_start3A_56] : memref<128x50xi32, #tpu.memory_space<vmem>> -> memref<1x50xi32, #tpu.memory_space<vmem>>
    %dma_start3A_58 = tpu.memref_squeeze %dma_start3A_57 : memref<1x50xi32, #tpu.memory_space<vmem>> -> memref<50xi32, #tpu.memory_space<vmem>>
    %dma_start3A_59 = arith.constant 0 : i32
    %dma_start3A_60 = arith.constant 0 : i32
    %dma_start3A_61 = tpu.memref_slice %arg3[%dma_start3A_59, %dma_start3A_60] : memref<100000x128xf32, #tpu.memory_space<hbm>> -> memref<100000x128xf32, #tpu.memory_space<hbm>>
    tpu.enqueue_indirect_dma source(%dma_start3A_61 : memref<100000x128xf32, #tpu.memory_space<hbm>>) target(%dma_start3A_55 : memref<50x128xf32, #tpu.memory_space<vmem>>) offsets(%dma_start3A_58 : memref<50xi32, #tpu.memory_space<vmem>>) semaphore(%arg16 : memref<!tpu.dma_semaphore, #tpu.memory_space<semaphore_mem>>)
    %dma_start3A_62 = arith.constant 5 : i32
    %dma_start3A_63 = arith.constant 1 : i32
    %dma_start3A_64 = arith.constant 0 : i32
    %dma_start3A_65 = arith.constant 0 : i32
    %dma_start3A_66 = tpu.memref_slice %arg8[%dma_start3A_63, %dma_start3A_64, %dma_start3A_65] : memref<2x50x128xf32, #tpu.memory_space<vmem>> -> memref<1x50x128xf32, #tpu.memory_space<vmem>>
    %dma_start3A_67 = tpu.memref_squeeze %dma_start3A_66 : memref<1x50x128xf32, #tpu.memory_space<vmem>> -> memref<50x128xf32, #tpu.memory_space<vmem>>
    %dma_start3A_68 = arith.constant 0 : i32
    %dma_start3A_69 = tpu.memref_slice %arg5[%dma_start3A_62, %dma_start3A_68] : memref<128x50xi32, #tpu.memory_space<vmem>> -> memref<1x50xi32, #tpu.memory_space<vmem>>
    %dma_start3A_70 = tpu.memref_squeeze %dma_start3A_69 : memref<1x50xi32, #tpu.memory_space<vmem>> -> memref<50xi32, #tpu.memory_space<vmem>>
    %dma_start3A_71 = arith.constant 0 : i32
    %dma_start3A_72 = arith.constant 0 : i32
    %dma_start3A_73 = tpu.memref_slice %arg3[%dma_start3A_71, %dma_start3A_72] : memref<100000x128xf32, #tpu.memory_space<hbm>> -> memref<100000x128xf32, #tpu.memory_space<hbm>>
    tpu.enqueue_indirect_dma source(%dma_start3A_73 : memref<100000x128xf32, #tpu.memory_space<hbm>>) target(%dma_start3A_67 : memref<50x128xf32, #tpu.memory_space<vmem>>) offsets(%dma_start3A_70 : memref<50xi32, #tpu.memory_space<vmem>>) semaphore(%arg16 : memref<!tpu.dma_semaphore, #tpu.memory_space<semaphore_mem>>)
    %dma_start3A_74 = arith.constant 6 : i32
    %dma_start3A_75 = arith.constant 0 : i32
    %dma_start3A_76 = arith.constant 0 : i32
    %dma_start3A_77 = arith.constant 0 : i32
    %dma_start3A_78 = tpu.memref_slice %arg9[%dma_start3A_75, %dma_start3A_76, %dma_start3A_77] : memref<2x50x128xf32, #tpu.memory_space<vmem>> -> memref<1x50x128xf32, #tpu.memory_space<vmem>>
    %dma_start3A_79 = tpu.memref_squeeze %dma_start3A_78 : memref<1x50x128xf32, #tpu.memory_space<vmem>> -> memref<50x128xf32, #tpu.memory_space<vmem>>
    %dma_start3A_80 = arith.constant 0 : i32
    %dma_start3A_81 = tpu.memref_slice %arg5[%dma_start3A_74, %dma_start3A_80] : memref<128x50xi32, #tpu.memory_space<vmem>> -> memref<1x50xi32, #tpu.memory_space<vmem>>
    %dma_start3A_82 = tpu.memref_squeeze %dma_start3A_81 : memref<1x50xi32, #tpu.memory_space<vmem>> -> memref<50xi32, #tpu.memory_space<vmem>>
    %dma_start3A_83 = arith.constant 0 : i32
    %dma_start3A_84 = arith.constant 0 : i32
    %dma_start3A_85 = tpu.memref_slice %arg3[%dma_start3A_83, %dma_start3A_84] : memref<100000x128xf32, #tpu.memory_space<hbm>> -> memref<100000x128xf32, #tpu.memory_space<hbm>>
    tpu.enqueue_indirect_dma source(%dma_start3A_85 : memref<100000x128xf32, #tpu.memory_space<hbm>>) target(%dma_start3A_79 : memref<50x128xf32, #tpu.memory_space<vmem>>) offsets(%dma_start3A_82 : memref<50xi32, #tpu.memory_space<vmem>>) semaphore(%arg17 : memref<!tpu.dma_semaphore, #tpu.memory_space<semaphore_mem>>)
    %dma_start3A_86 = arith.constant 7 : i32
    %dma_start3A_87 = arith.constant 1 : i32
    %dma_start3A_88 = arith.constant 0 : i32
    %dma_start3A_89 = arith.constant 0 : i32
    %dma_start3A_90 = tpu.memref_slice %arg9[%dma_start3A_87, %dma_start3A_88, %dma_start3A_89] : memref<2x50x128xf32, #tpu.memory_space<vmem>> -> memref<1x50x128xf32, #tpu.memory_space<vmem>>
    %dma_start3A_91 = tpu.memref_squeeze %dma_start3A_90 : memref<1x50x128xf32, #tpu.memory_space<vmem>> -> memref<50x128xf32, #tpu.memory_space<vmem>>
    %dma_start3A_92 = arith.constant 0 : i32
    %dma_start3A_93 = tpu.memref_slice %arg5[%dma_start3A_86, %dma_start3A_92] : memref<128x50xi32, #tpu.memory_space<vmem>> -> memref<1x50xi32, #tpu.memory_space<vmem>>
    %dma_start3A_94 = tpu.memref_squeeze %dma_start3A_93 : memref<1x50xi32, #tpu.memory_space<vmem>> -> memref<50xi32, #tpu.memory_space<vmem>>
    %dma_start3A_95 = arith.constant 0 : i32
    %dma_start3A_96 = arith.constant 0 : i32
    %dma_start3A_97 = tpu.memref_slice %arg3[%dma_start3A_95, %dma_start3A_96] : memref<100000x128xf32, #tpu.memory_space<hbm>> -> memref<100000x128xf32, #tpu.memory_space<hbm>>
    tpu.enqueue_indirect_dma source(%dma_start3A_97 : memref<100000x128xf32, #tpu.memory_space<hbm>>) target(%dma_start3A_91 : memref<50x128xf32, #tpu.memory_space<vmem>>) offsets(%dma_start3A_94 : memref<50xi32, #tpu.memory_space<vmem>>) semaphore(%arg17 : memref<!tpu.dma_semaphore, #tpu.memory_space<semaphore_mem>>)
    %dma_start3A_98 = arith.constant 8 : i32
    %dma_start3A_99 = arith.constant 0 : i32
    %dma_start3A_100 = arith.constant 0 : i32
    %dma_start3A_101 = arith.constant 0 : i32
    %dma_start3A_102 = tpu.memref_slice %arg10[%dma_start3A_99, %dma_start3A_100, %dma_start3A_101] : memref<2x50x128xf32, #tpu.memory_space<vmem>> -> memref<1x50x128xf32, #tpu.memory_space<vmem>>
    %dma_start3A_103 = tpu.memref_squeeze %dma_start3A_102 : memref<1x50x128xf32, #tpu.memory_space<vmem>> -> memref<50x128xf32, #tpu.memory_space<vmem>>
    %dma_start3A_104 = arith.constant 0 : i32
    %dma_start3A_105 = tpu.memref_slice %arg5[%dma_start3A_98, %dma_start3A_104] : memref<128x50xi32, #tpu.memory_space<vmem>> -> memref<1x50xi32, #tpu.memory_space<vmem>>
    %dma_start3A_106 = tpu.memref_squeeze %dma_start3A_105 : memref<1x50xi32, #tpu.memory_space<vmem>> -> memref<50xi32, #tpu.memory_space<vmem>>
    %dma_start3A_107 = arith.constant 0 : i32
    %dma_start3A_108 = arith.constant 0 : i32
    %dma_start3A_109 = tpu.memref_slice %arg3[%dma_start3A_107, %dma_start3A_108] : memref<100000x128xf32, #tpu.memory_space<hbm>> -> memref<100000x128xf32, #tpu.memory_space<hbm>>
    tpu.enqueue_indirect_dma source(%dma_start3A_109 : memref<100000x128xf32, #tpu.memory_space<hbm>>) target(%dma_start3A_103 : memref<50x128xf32, #tpu.memory_space<vmem>>) offsets(%dma_start3A_106 : memref<50xi32, #tpu.memory_space<vmem>>) semaphore(%arg18 : memref<!tpu.dma_semaphore, #tpu.memory_space<semaphore_mem>>)
    %dma_start3A_110 = arith.constant 9 : i32
    %dma_start3A_111 = arith.constant 1 : i32
    %dma_start3A_112 = arith.constant 0 : i32
    %dma_start3A_113 = arith.constant 0 : i32
    %dma_start3A_114 = tpu.memref_slice %arg10[%dma_start3A_111, %dma_start3A_112, %dma_start3A_113] : memref<2x50x128xf32, #tpu.memory_space<vmem>> -> memref<1x50x128xf32, #tpu.memory_space<vmem>>
    %dma_start3A_115 = tpu.memref_squeeze %dma_start3A_114 : memref<1x50x128xf32, #tpu.memory_space<vmem>> -> memref<50x128xf32, #tpu.memory_space<vmem>>
    %dma_start3A_116 = arith.constant 0 : i32
    %dma_start3A_117 = tpu.memref_slice %arg5[%dma_start3A_110, %dma_start3A_116] : memref<128x50xi32, #tpu.memory_space<vmem>> -> memref<1x50xi32, #tpu.memory_space<vmem>>
    %dma_start3A_118 = tpu.memref_squeeze %dma_start3A_117 : memref<1x50xi32, #tpu.memory_space<vmem>> -> memref<50xi32, #tpu.memory_space<vmem>>
    %dma_start3A_119 = arith.constant 0 : i32
    %dma_start3A_120 = arith.constant 0 : i32
    %dma_start3A_121 = tpu.memref_slice %arg3[%dma_start3A_119, %dma_start3A_120] : memref<100000x128xf32, #tpu.memory_space<hbm>> -> memref<100000x128xf32, #tpu.memory_space<hbm>>
    tpu.enqueue_indirect_dma source(%dma_start3A_121 : memref<100000x128xf32, #tpu.memory_space<hbm>>) target(%dma_start3A_115 : memref<50x128xf32, #tpu.memory_space<vmem>>) offsets(%dma_start3A_118 : memref<50xi32, #tpu.memory_space<vmem>>) semaphore(%arg18 : memref<!tpu.dma_semaphore, #tpu.memory_space<semaphore_mem>>)
    %dma_start3A_122 = arith.constant 10 : i32
    %dma_start3A_123 = arith.constant 0 : i32
    %dma_start3A_124 = arith.constant 0 : i32
    %dma_start3A_125 = arith.constant 0 : i32
    %dma_start3A_126 = tpu.memref_slice %arg11[%dma_start3A_123, %dma_start3A_124, %dma_start3A_125] : memref<2x50x128xf32, #tpu.memory_space<vmem>> -> memref<1x50x128xf32, #tpu.memory_space<vmem>>
    %dma_start3A_127 = tpu.memref_squeeze %dma_start3A_126 : memref<1x50x128xf32, #tpu.memory_space<vmem>> -> memref<50x128xf32, #tpu.memory_space<vmem>>
    %dma_start3A_128 = arith.constant 0 : i32
    %dma_start3A_129 = tpu.memref_slice %arg5[%dma_start3A_122, %dma_start3A_128] : memref<128x50xi32, #tpu.memory_space<vmem>> -> memref<1x50xi32, #tpu.memory_space<vmem>>
    %dma_start3A_130 = tpu.memref_squeeze %dma_start3A_129 : memref<1x50xi32, #tpu.memory_space<vmem>> -> memref<50xi32, #tpu.memory_space<vmem>>
    %dma_start3A_131 = arith.constant 0 : i32
    %dma_start3A_132 = arith.constant 0 : i32
    %dma_start3A_133 = tpu.memref_slice %arg3[%dma_start3A_131, %dma_start3A_132] : memref<100000x128xf32, #tpu.memory_space<hbm>> -> memref<100000x128xf32, #tpu.memory_space<hbm>>
    tpu.enqueue_indirect_dma source(%dma_start3A_133 : memref<100000x128xf32, #tpu.memory_space<hbm>>) target(%dma_start3A_127 : memref<50x128xf32, #tpu.memory_space<vmem>>) offsets(%dma_start3A_130 : memref<50xi32, #tpu.memory_space<vmem>>) semaphore(%arg19 : memref<!tpu.dma_semaphore, #tpu.memory_space<semaphore_mem>>)
    %dma_start3A_134 = arith.constant 11 : i32
    %dma_start3A_135 = arith.constant 1 : i32
    %dma_start3A_136 = arith.constant 0 : i32
    %dma_start3A_137 = arith.constant 0 : i32
    %dma_start3A_138 = tpu.memref_slice %arg11[%dma_start3A_135, %dma_start3A_136, %dma_start3A_137] : memref<2x50x128xf32, #tpu.memory_space<vmem>> -> memref<1x50x128xf32, #tpu.memory_space<vmem>>
    %dma_start3A_139 = tpu.memref_squeeze %dma_start3A_138 : memref<1x50x128xf32, #tpu.memory_space<vmem>> -> memref<50x128xf32, #tpu.memory_space<vmem>>
    %dma_start3A_140 = arith.constant 0 : i32
    %dma_start3A_141 = tpu.memref_slice %arg5[%dma_start3A_134, %dma_start3A_140] : memref<128x50xi32, #tpu.memory_space<vmem>> -> memref<1x50xi32, #tpu.memory_space<vmem>>
    %dma_start3A_142 = tpu.memref_squeeze %dma_start3A_141 : memref<1x50xi32, #tpu.memory_space<vmem>> -> memref<50xi32, #tpu.memory_space<vmem>>
    %dma_start3A_143 = arith.constant 0 : i32
    %dma_start3A_144 = arith.constant 0 : i32
    %dma_start3A_145 = tpu.memref_slice %arg3[%dma_start3A_143, %dma_start3A_144] : memref<100000x128xf32, #tpu.memory_space<hbm>> -> memref<100000x128xf32, #tpu.memory_space<hbm>>
    tpu.enqueue_indirect_dma source(%dma_start3A_145 : memref<100000x128xf32, #tpu.memory_space<hbm>>) target(%dma_start3A_139 : memref<50x128xf32, #tpu.memory_space<vmem>>) offsets(%dma_start3A_142 : memref<50xi32, #tpu.memory_space<vmem>>) semaphore(%arg19 : memref<!tpu.dma_semaphore, #tpu.memory_space<semaphore_mem>>)
    %dma_start3A_146 = arith.constant 12 : i32
    %dma_start3A_147 = arith.constant 0 : i32
    %dma_start3A_148 = arith.constant 0 : i32
    %dma_start3A_149 = arith.constant 0 : i32
    %dma_start3A_150 = tpu.memref_slice %arg12[%dma_start3A_147, %dma_start3A_148, %dma_start3A_149] : memref<2x50x128xf32, #tpu.memory_space<vmem>> -> memref<1x50x128xf32, #tpu.memory_space<vmem>>
    %dma_start3A_151 = tpu.memref_squeeze %dma_start3A_150 : memref<1x50x128xf32, #tpu.memory_space<vmem>> -> memref<50x128xf32, #tpu.memory_space<vmem>>
    %dma_start3A_152 = arith.constant 0 : i32
    %dma_start3A_153 = tpu.memref_slice %arg5[%dma_start3A_146, %dma_start3A_152] : memref<128x50xi32, #tpu.memory_space<vmem>> -> memref<1x50xi32, #tpu.memory_space<vmem>>
    %dma_start3A_154 = tpu.memref_squeeze %dma_start3A_153 : memref<1x50xi32, #tpu.memory_space<vmem>> -> memref<50xi32, #tpu.memory_space<vmem>>
    %dma_start3A_155 = arith.constant 0 : i32
    %dma_start3A_156 = arith.constant 0 : i32
    %dma_start3A_157 = tpu.memref_slice %arg3[%dma_start3A_155, %dma_start3A_156] : memref<100000x128xf32, #tpu.memory_space<hbm>> -> memref<100000x128xf32, #tpu.memory_space<hbm>>
    tpu.enqueue_indirect_dma source(%dma_start3A_157 : memref<100000x128xf32, #tpu.memory_space<hbm>>) target(%dma_start3A_151 : memref<50x128xf32, #tpu.memory_space<vmem>>) offsets(%dma_start3A_154 : memref<50xi32, #tpu.memory_space<vmem>>) semaphore(%arg20 : memref<!tpu.dma_semaphore, #tpu.memory_space<semaphore_mem>>)
    %dma_start3A_158 = arith.constant 13 : i32
    %dma_start3A_159 = arith.constant 1 : i32
    %dma_start3A_160 = arith.constant 0 : i32
    %dma_start3A_161 = arith.constant 0 : i32
    %dma_start3A_162 = tpu.memref_slice %arg12[%dma_start3A_159, %dma_start3A_160, %dma_start3A_161] : memref<2x50x128xf32, #tpu.memory_space<vmem>> -> memref<1x50x128xf32, #tpu.memory_space<vmem>>
    %dma_start3A_163 = tpu.memref_squeeze %dma_start3A_162 : memref<1x50x128xf32, #tpu.memory_space<vmem>> -> memref<50x128xf32, #tpu.memory_space<vmem>>
    %dma_start3A_164 = arith.constant 0 : i32
    %dma_start3A_165 = tpu.memref_slice %arg5[%dma_start3A_158, %dma_start3A_164] : memref<128x50xi32, #tpu.memory_space<vmem>> -> memref<1x50xi32, #tpu.memory_space<vmem>>
    %dma_start3A_166 = tpu.memref_squeeze %dma_start3A_165 : memref<1x50xi32, #tpu.memory_space<vmem>> -> memref<50xi32, #tpu.memory_space<vmem>>
    %dma_start3A_167 = arith.constant 0 : i32
    %dma_start3A_168 = arith.constant 0 : i32
    %dma_start3A_169 = tpu.memref_slice %arg3[%dma_start3A_167, %dma_start3A_168] : memref<100000x128xf32, #tpu.memory_space<hbm>> -> memref<100000x128xf32, #tpu.memory_space<hbm>>
    tpu.enqueue_indirect_dma source(%dma_start3A_169 : memref<100000x128xf32, #tpu.memory_space<hbm>>) target(%dma_start3A_163 : memref<50x128xf32, #tpu.memory_space<vmem>>) offsets(%dma_start3A_166 : memref<50xi32, #tpu.memory_space<vmem>>) semaphore(%arg20 : memref<!tpu.dma_semaphore, #tpu.memory_space<semaphore_mem>>)
    %scan3A = arith.constant 0 : i32
    %scan3A_170 = arith.constant 0 : i32
    %scan3A_171 = arith.constant 8 : i32
    %scan3A_172 = arith.addi %scan3A_170, %scan3A_171 : i32
    %scan3A_173 = arith.constant 1 : i32
    scf.for %scan3A_182 = %scan3A_170 to %scan3A_172 step %scan3A_173  : i32 {
      %mul3A_183 = arith.constant 8 : i32
      %mul3A_184 = arith.muli %scan3A_182, %mul3A_183 : i32
      %add3A_185 = arith.constant 0 : i32
      %add3A_186 = arith.addi %mul3A_184, %add3A_185 : i32
      %mul3A_187 = arith.constant 2 : i32
      %mul3A_188 = arith.muli %add3A_186, %mul3A_187 : i32
      %add3A_189 = arith.constant 0 : i32
      %add3A_190 = arith.addi %mul3A_188, %add3A_189 : i32
      %dma_wait3A_191 = arith.constant 0 : i32
      %dma_wait3A_192 = arith.constant 0 : i32
      %dma_wait3A_193 = arith.constant 0 : i32
      %dma_wait3A_194 = tpu.memref_slice %arg6[%dma_wait3A_191, %dma_wait3A_192, %dma_wait3A_193] : memref<2x50x128xf32, #tpu.memory_space<vmem>> -> memref<1x50x128xf32, #tpu.memory_space<vmem>>
      %dma_wait3A_195 = tpu.memref_squeeze %dma_wait3A_194 : memref<1x50x128xf32, #tpu.memory_space<vmem>> -> memref<50x128xf32, #tpu.memory_space<vmem>>
      %dma_wait3A_196 = arith.constant 0 : i32
      %dma_wait3A_197 = tpu.memref_slice %arg5[%add3A_190, %dma_wait3A_196] : memref<128x50xi32, #tpu.memory_space<vmem>> -> memref<1x50xi32, #tpu.memory_space<vmem>>
      %dma_wait3A_198 = tpu.memref_squeeze %dma_wait3A_197 : memref<1x50xi32, #tpu.memory_space<vmem>> -> memref<50xi32, #tpu.memory_space<vmem>>
      %dma_wait3A_199 = arith.constant 0 : i32
      %dma_wait3A_200 = arith.constant 0 : i32
      %dma_wait3A_201 = tpu.memref_slice %arg3[%dma_wait3A_199, %dma_wait3A_200] : memref<100000x128xf32, #tpu.memory_space<hbm>> -> memref<100000x128xf32, #tpu.memory_space<hbm>>
      tpu.wait_indirect_dma semaphore(%arg14 : memref<!tpu.dma_semaphore, #tpu.memory_space<semaphore_mem>>) src(%dma_wait3A_201 : memref<100000x128xf32, #tpu.memory_space<hbm>>) dst(%dma_wait3A_195 : memref<50x128xf32, #tpu.memory_space<vmem>>)
      %mul3A_202 = arith.constant 2 : i32
      %mul3A_203 = arith.muli %add3A_186, %mul3A_202 : i32
      %add3A_204 = arith.constant 1 : i32
      %add3A_205 = arith.addi %mul3A_203, %add3A_204 : i32
      %dma_wait3A_206 = arith.constant 1 : i32
      %dma_wait3A_207 = arith.constant 0 : i32
      %dma_wait3A_208 = arith.constant 0 : i32
      %dma_wait3A_209 = tpu.memref_slice %arg6[%dma_wait3A_206, %dma_wait3A_207, %dma_wait3A_208] : memref<2x50x128xf32, #tpu.memory_space<vmem>> -> memref<1x50x128xf32, #tpu.memory_space<vmem>>
      %dma_wait3A_210 = tpu.memref_squeeze %dma_wait3A_209 : memref<1x50x128xf32, #tpu.memory_space<vmem>> -> memref<50x128xf32, #tpu.memory_space<vmem>>
      %dma_wait3A_211 = arith.constant 0 : i32
      %dma_wait3A_212 = tpu.memref_slice %arg5[%add3A_205, %dma_wait3A_211] : memref<128x50xi32, #tpu.memory_space<vmem>> -> memref<1x50xi32, #tpu.memory_space<vmem>>
      %dma_wait3A_213 = tpu.memref_squeeze %dma_wait3A_212 : memref<1x50xi32, #tpu.memory_space<vmem>> -> memref<50xi32, #tpu.memory_space<vmem>>
      %dma_wait3A_214 = arith.constant 0 : i32
      %dma_wait3A_215 = arith.constant 0 : i32
      %dma_wait3A_216 = tpu.memref_slice %arg3[%dma_wait3A_214, %dma_wait3A_215] : memref<100000x128xf32, #tpu.memory_space<hbm>> -> memref<100000x128xf32, #tpu.memory_space<hbm>>
      tpu.wait_indirect_dma semaphore(%arg14 : memref<!tpu.dma_semaphore, #tpu.memory_space<semaphore_mem>>) src(%dma_wait3A_216 : memref<100000x128xf32, #tpu.memory_space<hbm>>) dst(%dma_wait3A_210 : memref<50x128xf32, #tpu.memory_space<vmem>>)
      %mul3A_217 = arith.constant 2 : i32
      %mul3A_218 = arith.muli %add3A_186, %mul3A_217 : i32
      %add3A_219 = arith.addi %mul3A_2, %mul3A_218 : i32
      %dma_start3A_220 = arith.constant 0 : i32
      %dma_start3A_221 = arith.constant 0 : i32
      %dma_start3A_222 = tpu.memref_slice %arg4[%add3A_219, %dma_start3A_220, %dma_start3A_221] : memref<4096x50x128xf32, #tpu.memory_space<hbm>> -> memref<2x50x128xf32, #tpu.memory_space<hbm>>
      %dma_start3A_223 = arith.constant 0 : i32
      %dma_start3A_224 = arith.constant 0 : i32
      %dma_start3A_225 = tpu.memref_slice %arg4[%add3A_219, %dma_start3A_223, %dma_start3A_224] : memref<4096x50x128xf32, #tpu.memory_space<hbm>> -> memref<2x50x128xf32, #tpu.memory_space<hbm>>
      tpu.enqueue_dma source(%arg6 : memref<2x50x128xf32, #tpu.memory_space<vmem>>) target(%dma_start3A_225 : memref<2x50x128xf32, #tpu.memory_space<hbm>>) target_semaphore(%arg22 : memref<!tpu.dma_semaphore, #tpu.memory_space<semaphore_mem>>)
      %ge3A = arith.constant 1 : i32
      %ge3A_226 = arith.cmpi sge, %add3A_186, %ge3A : i32
      %convert_element_type3A = arith.extui %ge3A_226 : i1 to i32
      %cond3A = arith.constant 0 : i32
      %cond3A_227 = arith.cmpi ne, %convert_element_type3A, %cond3A : i32
      scf.if %cond3A_227 {
        %sub3A_634 = arith.constant 1 : i32
        %sub3A_635 = arith.subi %add3A_186, %sub3A_634 : i32
        %mul3A_636 = arith.constant 2 : i32
        %mul3A_637 = arith.muli %sub3A_635, %mul3A_636 : i32
        %add3A_638 = arith.addi %mul3A_2, %mul3A_637 : i32
        %dma_wait3A_639 = arith.constant 0 : i32
        %dma_wait3A_640 = arith.constant 0 : i32
        %dma_wait3A_641 = tpu.memref_slice %arg4[%add3A_638, %dma_wait3A_639, %dma_wait3A_640] : memref<4096x50x128xf32, #tpu.memory_space<hbm>> -> memref<2x50x128xf32, #tpu.memory_space<hbm>>
        %dma_wait3A_642 = arith.constant 0 : i32
        %dma_wait3A_643 = arith.constant 0 : i32
        %dma_wait3A_644 = tpu.memref_slice %arg4[%add3A_638, %dma_wait3A_642, %dma_wait3A_643] : memref<4096x50x128xf32, #tpu.memory_space<hbm>> -> memref<2x50x128xf32, #tpu.memory_space<hbm>>
        tpu.wait_dma2 semaphore(%arg29 : memref<!tpu.dma_semaphore, #tpu.memory_space<semaphore_mem>>) src(%arg13 : memref<2x50x128xf32, #tpu.memory_space<vmem>>) dst(%dma_wait3A_644 : memref<2x50x128xf32, #tpu.memory_space<hbm>>)
      } else {
      }
      %add3A_228 = arith.constant 8 : i32
      %add3A_229 = arith.addi %add3A_186, %add3A_228 : i32
      %sub3A = arith.constant 1 : i32
      %sub3A_230 = arith.subi %add3A_229, %sub3A : i32
      %lt3A = arith.constant 64 : i32
      %lt3A_231 = arith.cmpi slt, %sub3A_230, %lt3A : i32
      %convert_element_type3A_232 = arith.extui %lt3A_231 : i1 to i32
      %cond3A_233 = arith.constant 0 : i32
      %cond3A_234 = arith.cmpi ne, %convert_element_type3A_232, %cond3A_233 : i32
      scf.if %cond3A_234 {
        %add3A_634 = arith.constant 8 : i32
        %add3A_635 = arith.addi %add3A_186, %add3A_634 : i32
        %sub3A_636 = arith.constant 1 : i32
        %sub3A_637 = arith.subi %add3A_635, %sub3A_636 : i32
        %mul3A_638 = arith.constant 2 : i32
        %mul3A_639 = arith.muli %sub3A_637, %mul3A_638 : i32
        %add3A_640 = arith.constant 0 : i32
        %add3A_641 = arith.addi %mul3A_639, %add3A_640 : i32
        %dma_start3A_642 = arith.constant 0 : i32
        %dma_start3A_643 = arith.constant 0 : i32
        %dma_start3A_644 = arith.constant 0 : i32
        %dma_start3A_645 = tpu.memref_slice %arg13[%dma_start3A_642, %dma_start3A_643, %dma_start3A_644] : memref<2x50x128xf32, #tpu.memory_space<vmem>> -> memref<1x50x128xf32, #tpu.memory_space<vmem>>
        %dma_start3A_646 = tpu.memref_squeeze %dma_start3A_645 : memref<1x50x128xf32, #tpu.memory_space<vmem>> -> memref<50x128xf32, #tpu.memory_space<vmem>>
        %dma_start3A_647 = arith.constant 0 : i32
        %dma_start3A_648 = tpu.memref_slice %arg5[%add3A_641, %dma_start3A_647] : memref<128x50xi32, #tpu.memory_space<vmem>> -> memref<1x50xi32, #tpu.memory_space<vmem>>
        %dma_start3A_649 = tpu.memref_squeeze %dma_start3A_648 : memref<1x50xi32, #tpu.memory_space<vmem>> -> memref<50xi32, #tpu.memory_space<vmem>>
        %dma_start3A_650 = arith.constant 0 : i32
        %dma_start3A_651 = arith.constant 0 : i32
        %dma_start3A_652 = tpu.memref_slice %arg3[%dma_start3A_650, %dma_start3A_651] : memref<100000x128xf32, #tpu.memory_space<hbm>> -> memref<100000x128xf32, #tpu.memory_space<hbm>>
        tpu.enqueue_indirect_dma source(%dma_start3A_652 : memref<100000x128xf32, #tpu.memory_space<hbm>>) target(%dma_start3A_646 : memref<50x128xf32, #tpu.memory_space<vmem>>) offsets(%dma_start3A_649 : memref<50xi32, #tpu.memory_space<vmem>>) semaphore(%arg21 : memref<!tpu.dma_semaphore, #tpu.memory_space<semaphore_mem>>)
        %mul3A_653 = arith.constant 2 : i32
        %mul3A_654 = arith.muli %sub3A_637, %mul3A_653 : i32
        %add3A_655 = arith.constant 1 : i32
        %add3A_656 = arith.addi %mul3A_654, %add3A_655 : i32
        %dma_start3A_657 = arith.constant 1 : i32
        %dma_start3A_658 = arith.constant 0 : i32
        %dma_start3A_659 = arith.constant 0 : i32
        %dma_start3A_660 = tpu.memref_slice %arg13[%dma_start3A_657, %dma_start3A_658, %dma_start3A_659] : memref<2x50x128xf32, #tpu.memory_space<vmem>> -> memref<1x50x128xf32, #tpu.memory_space<vmem>>
        %dma_start3A_661 = tpu.memref_squeeze %dma_start3A_660 : memref<1x50x128xf32, #tpu.memory_space<vmem>> -> memref<50x128xf32, #tpu.memory_space<vmem>>
        %dma_start3A_662 = arith.constant 0 : i32
        %dma_start3A_663 = tpu.memref_slice %arg5[%add3A_656, %dma_start3A_662] : memref<128x50xi32, #tpu.memory_space<vmem>> -> memref<1x50xi32, #tpu.memory_space<vmem>>
        %dma_start3A_664 = tpu.memref_squeeze %dma_start3A_663 : memref<1x50xi32, #tpu.memory_space<vmem>> -> memref<50xi32, #tpu.memory_space<vmem>>
        %dma_start3A_665 = arith.constant 0 : i32
        %dma_start3A_666 = arith.constant 0 : i32
        %dma_start3A_667 = tpu.memref_slice %arg3[%dma_start3A_665, %dma_start3A_666] : memref<100000x128xf32, #tpu.memory_space<hbm>> -> memref<100000x128xf32, #tpu.memory_space<hbm>>
        tpu.enqueue_indirect_dma source(%dma_start3A_667 : memref<100000x128xf32, #tpu.memory_space<hbm>>) target(%dma_start3A_661 : memref<50x128xf32, #tpu.memory_space<vmem>>) offsets(%dma_start3A_664 : memref<50xi32, #tpu.memory_space<vmem>>) semaphore(%arg21 : memref<!tpu.dma_semaphore, #tpu.memory_space<semaphore_mem>>)
      } else {
      }
      %mul3A_235 = arith.constant 8 : i32
      %mul3A_236 = arith.muli %scan3A_182, %mul3A_235 : i32
      %add3A_237 = arith.constant 1 : i32
      %add3A_238 = arith.addi %mul3A_236, %add3A_237 : i32
      %mul3A_239 = arith.constant 2 : i32
      %mul3A_240 = arith.muli %add3A_238, %mul3A_239 : i32
      %add3A_241 = arith.constant 0 : i32
      %add3A_242 = arith.addi %mul3A_240, %add3A_241 : i32
      %dma_wait3A_243 = arith.constant 0 : i32
      %dma_wait3A_244 = arith.constant 0 : i32
      %dma_wait3A_245 = arith.constant 0 : i32
      %dma_wait3A_246 = tpu.memref_slice %arg7[%dma_wait3A_243, %dma_wait3A_244, %dma_wait3A_245] : memref<2x50x128xf32, #tpu.memory_space<vmem>> -> memref<1x50x128xf32, #tpu.memory_space<vmem>>
      %dma_wait3A_247 = tpu.memref_squeeze %dma_wait3A_246 : memref<1x50x128xf32, #tpu.memory_space<vmem>> -> memref<50x128xf32, #tpu.memory_space<vmem>>
      %dma_wait3A_248 = arith.constant 0 : i32
      %dma_wait3A_249 = tpu.memref_slice %arg5[%add3A_242, %dma_wait3A_248] : memref<128x50xi32, #tpu.memory_space<vmem>> -> memref<1x50xi32, #tpu.memory_space<vmem>>
      %dma_wait3A_250 = tpu.memref_squeeze %dma_wait3A_249 : memref<1x50xi32, #tpu.memory_space<vmem>> -> memref<50xi32, #tpu.memory_space<vmem>>
      %dma_wait3A_251 = arith.constant 0 : i32
      %dma_wait3A_252 = arith.constant 0 : i32
      %dma_wait3A_253 = tpu.memref_slice %arg3[%dma_wait3A_251, %dma_wait3A_252] : memref<100000x128xf32, #tpu.memory_space<hbm>> -> memref<100000x128xf32, #tpu.memory_space<hbm>>
      tpu.wait_indirect_dma semaphore(%arg15 : memref<!tpu.dma_semaphore, #tpu.memory_space<semaphore_mem>>) src(%dma_wait3A_253 : memref<100000x128xf32, #tpu.memory_space<hbm>>) dst(%dma_wait3A_247 : memref<50x128xf32, #tpu.memory_space<vmem>>)
      %mul3A_254 = arith.constant 2 : i32
      %mul3A_255 = arith.muli %add3A_238, %mul3A_254 : i32
      %add3A_256 = arith.constant 1 : i32
      %add3A_257 = arith.addi %mul3A_255, %add3A_256 : i32
      %dma_wait3A_258 = arith.constant 1 : i32
      %dma_wait3A_259 = arith.constant 0 : i32
      %dma_wait3A_260 = arith.constant 0 : i32
      %dma_wait3A_261 = tpu.memref_slice %arg7[%dma_wait3A_258, %dma_wait3A_259, %dma_wait3A_260] : memref<2x50x128xf32, #tpu.memory_space<vmem>> -> memref<1x50x128xf32, #tpu.memory_space<vmem>>
      %dma_wait3A_262 = tpu.memref_squeeze %dma_wait3A_261 : memref<1x50x128xf32, #tpu.memory_space<vmem>> -> memref<50x128xf32, #tpu.memory_space<vmem>>
      %dma_wait3A_263 = arith.constant 0 : i32
      %dma_wait3A_264 = tpu.memref_slice %arg5[%add3A_257, %dma_wait3A_263] : memref<128x50xi32, #tpu.memory_space<vmem>> -> memref<1x50xi32, #tpu.memory_space<vmem>>
      %dma_wait3A_265 = tpu.memref_squeeze %dma_wait3A_264 : memref<1x50xi32, #tpu.memory_space<vmem>> -> memref<50xi32, #tpu.memory_space<vmem>>
      %dma_wait3A_266 = arith.constant 0 : i32
      %dma_wait3A_267 = arith.constant 0 : i32
      %dma_wait3A_268 = tpu.memref_slice %arg3[%dma_wait3A_266, %dma_wait3A_267] : memref<100000x128xf32, #tpu.memory_space<hbm>> -> memref<100000x128xf32, #tpu.memory_space<hbm>>
      tpu.wait_indirect_dma semaphore(%arg15 : memref<!tpu.dma_semaphore, #tpu.memory_space<semaphore_mem>>) src(%dma_wait3A_268 : memref<100000x128xf32, #tpu.memory_space<hbm>>) dst(%dma_wait3A_262 : memref<50x128xf32, #tpu.memory_space<vmem>>)
      %mul3A_269 = arith.constant 2 : i32
      %mul3A_270 = arith.muli %add3A_238, %mul3A_269 : i32
      %add3A_271 = arith.addi %mul3A_2, %mul3A_270 : i32
      %dma_start3A_272 = arith.constant 0 : i32
      %dma_start3A_273 = arith.constant 0 : i32
      %dma_start3A_274 = tpu.memref_slice %arg4[%add3A_271, %dma_start3A_272, %dma_start3A_273] : memref<4096x50x128xf32, #tpu.memory_space<hbm>> -> memref<2x50x128xf32, #tpu.memory_space<hbm>>
      %dma_start3A_275 = arith.constant 0 : i32
      %dma_start3A_276 = arith.constant 0 : i32
      %dma_start3A_277 = tpu.memref_slice %arg4[%add3A_271, %dma_start3A_275, %dma_start3A_276] : memref<4096x50x128xf32, #tpu.memory_space<hbm>> -> memref<2x50x128xf32, #tpu.memory_space<hbm>>
      tpu.enqueue_dma source(%arg7 : memref<2x50x128xf32, #tpu.memory_space<vmem>>) target(%dma_start3A_277 : memref<2x50x128xf32, #tpu.memory_space<hbm>>) target_semaphore(%arg23 : memref<!tpu.dma_semaphore, #tpu.memory_space<semaphore_mem>>)
      %ge3A_278 = arith.constant 1 : i32
      %ge3A_279 = arith.cmpi sge, %add3A_238, %ge3A_278 : i32
      %convert_element_type3A_280 = arith.extui %ge3A_279 : i1 to i32
      %cond3A_281 = arith.constant 0 : i32
      %cond3A_282 = arith.cmpi ne, %convert_element_type3A_280, %cond3A_281 : i32
      scf.if %cond3A_282 {
        %sub3A_634 = arith.constant 1 : i32
        %sub3A_635 = arith.subi %add3A_238, %sub3A_634 : i32
        %mul3A_636 = arith.constant 2 : i32
        %mul3A_637 = arith.muli %sub3A_635, %mul3A_636 : i32
        %add3A_638 = arith.addi %mul3A_2, %mul3A_637 : i32
        %dma_wait3A_639 = arith.constant 0 : i32
        %dma_wait3A_640 = arith.constant 0 : i32
        %dma_wait3A_641 = tpu.memref_slice %arg4[%add3A_638, %dma_wait3A_639, %dma_wait3A_640] : memref<4096x50x128xf32, #tpu.memory_space<hbm>> -> memref<2x50x128xf32, #tpu.memory_space<hbm>>
        %dma_wait3A_642 = arith.constant 0 : i32
        %dma_wait3A_643 = arith.constant 0 : i32
        %dma_wait3A_644 = tpu.memref_slice %arg4[%add3A_638, %dma_wait3A_642, %dma_wait3A_643] : memref<4096x50x128xf32, #tpu.memory_space<hbm>> -> memref<2x50x128xf32, #tpu.memory_space<hbm>>
        tpu.wait_dma2 semaphore(%arg22 : memref<!tpu.dma_semaphore, #tpu.memory_space<semaphore_mem>>) src(%arg6 : memref<2x50x128xf32, #tpu.memory_space<vmem>>) dst(%dma_wait3A_644 : memref<2x50x128xf32, #tpu.memory_space<hbm>>)
      } else {
      }
      %add3A_283 = arith.constant 8 : i32
      %add3A_284 = arith.addi %add3A_238, %add3A_283 : i32
      %sub3A_285 = arith.constant 1 : i32
      %sub3A_286 = arith.subi %add3A_284, %sub3A_285 : i32
      %lt3A_287 = arith.constant 64 : i32
      %lt3A_288 = arith.cmpi slt, %sub3A_286, %lt3A_287 : i32
      %convert_element_type3A_289 = arith.extui %lt3A_288 : i1 to i32
      %cond3A_290 = arith.constant 0 : i32
      %cond3A_291 = arith.cmpi ne, %convert_element_type3A_289, %cond3A_290 : i32
      scf.if %cond3A_291 {
        %add3A_634 = arith.constant 8 : i32
        %add3A_635 = arith.addi %add3A_238, %add3A_634 : i32
        %sub3A_636 = arith.constant 1 : i32
        %sub3A_637 = arith.subi %add3A_635, %sub3A_636 : i32
        %mul3A_638 = arith.constant 2 : i32
        %mul3A_639 = arith.muli %sub3A_637, %mul3A_638 : i32
        %add3A_640 = arith.constant 0 : i32
        %add3A_641 = arith.addi %mul3A_639, %add3A_640 : i32
        %dma_start3A_642 = arith.constant 0 : i32
        %dma_start3A_643 = arith.constant 0 : i32
        %dma_start3A_644 = arith.constant 0 : i32
        %dma_start3A_645 = tpu.memref_slice %arg6[%dma_start3A_642, %dma_start3A_643, %dma_start3A_644] : memref<2x50x128xf32, #tpu.memory_space<vmem>> -> memref<1x50x128xf32, #tpu.memory_space<vmem>>
        %dma_start3A_646 = tpu.memref_squeeze %dma_start3A_645 : memref<1x50x128xf32, #tpu.memory_space<vmem>> -> memref<50x128xf32, #tpu.memory_space<vmem>>
        %dma_start3A_647 = arith.constant 0 : i32
        %dma_start3A_648 = tpu.memref_slice %arg5[%add3A_641, %dma_start3A_647] : memref<128x50xi32, #tpu.memory_space<vmem>> -> memref<1x50xi32, #tpu.memory_space<vmem>>
        %dma_start3A_649 = tpu.memref_squeeze %dma_start3A_648 : memref<1x50xi32, #tpu.memory_space<vmem>> -> memref<50xi32, #tpu.memory_space<vmem>>
        %dma_start3A_650 = arith.constant 0 : i32
        %dma_start3A_651 = arith.constant 0 : i32
        %dma_start3A_652 = tpu.memref_slice %arg3[%dma_start3A_650, %dma_start3A_651] : memref<100000x128xf32, #tpu.memory_space<hbm>> -> memref<100000x128xf32, #tpu.memory_space<hbm>>
        tpu.enqueue_indirect_dma source(%dma_start3A_652 : memref<100000x128xf32, #tpu.memory_space<hbm>>) target(%dma_start3A_646 : memref<50x128xf32, #tpu.memory_space<vmem>>) offsets(%dma_start3A_649 : memref<50xi32, #tpu.memory_space<vmem>>) semaphore(%arg14 : memref<!tpu.dma_semaphore, #tpu.memory_space<semaphore_mem>>)
        %mul3A_653 = arith.constant 2 : i32
        %mul3A_654 = arith.muli %sub3A_637, %mul3A_653 : i32
        %add3A_655 = arith.constant 1 : i32
        %add3A_656 = arith.addi %mul3A_654, %add3A_655 : i32
        %dma_start3A_657 = arith.constant 1 : i32
        %dma_start3A_658 = arith.constant 0 : i32
        %dma_start3A_659 = arith.constant 0 : i32
        %dma_start3A_660 = tpu.memref_slice %arg6[%dma_start3A_657, %dma_start3A_658, %dma_start3A_659] : memref<2x50x128xf32, #tpu.memory_space<vmem>> -> memref<1x50x128xf32, #tpu.memory_space<vmem>>
        %dma_start3A_661 = tpu.memref_squeeze %dma_start3A_660 : memref<1x50x128xf32, #tpu.memory_space<vmem>> -> memref<50x128xf32, #tpu.memory_space<vmem>>
        %dma_start3A_662 = arith.constant 0 : i32
        %dma_start3A_663 = tpu.memref_slice %arg5[%add3A_656, %dma_start3A_662] : memref<128x50xi32, #tpu.memory_space<vmem>> -> memref<1x50xi32, #tpu.memory_space<vmem>>
        %dma_start3A_664 = tpu.memref_squeeze %dma_start3A_663 : memref<1x50xi32, #tpu.memory_space<vmem>> -> memref<50xi32, #tpu.memory_space<vmem>>
        %dma_start3A_665 = arith.constant 0 : i32
        %dma_start3A_666 = arith.constant 0 : i32
        %dma_start3A_667 = tpu.memref_slice %arg3[%dma_start3A_665, %dma_start3A_666] : memref<100000x128xf32, #tpu.memory_space<hbm>> -> memref<100000x128xf32, #tpu.memory_space<hbm>>
        tpu.enqueue_indirect_dma source(%dma_start3A_667 : memref<100000x128xf32, #tpu.memory_space<hbm>>) target(%dma_start3A_661 : memref<50x128xf32, #tpu.memory_space<vmem>>) offsets(%dma_start3A_664 : memref<50xi32, #tpu.memory_space<vmem>>) semaphore(%arg14 : memref<!tpu.dma_semaphore, #tpu.memory_space<semaphore_mem>>)
      } else {
      }
      %mul3A_292 = arith.constant 8 : i32
      %mul3A_293 = arith.muli %scan3A_182, %mul3A_292 : i32
      %add3A_294 = arith.constant 2 : i32
      %add3A_295 = arith.addi %mul3A_293, %add3A_294 : i32
      %mul3A_296 = arith.constant 2 : i32
      %mul3A_297 = arith.muli %add3A_295, %mul3A_296 : i32
      %add3A_298 = arith.constant 0 : i32
      %add3A_299 = arith.addi %mul3A_297, %add3A_298 : i32
      %dma_wait3A_300 = arith.constant 0 : i32
      %dma_wait3A_301 = arith.constant 0 : i32
      %dma_wait3A_302 = arith.constant 0 : i32
      %dma_wait3A_303 = tpu.memref_slice %arg8[%dma_wait3A_300, %dma_wait3A_301, %dma_wait3A_302] : memref<2x50x128xf32, #tpu.memory_space<vmem>> -> memref<1x50x128xf32, #tpu.memory_space<vmem>>
      %dma_wait3A_304 = tpu.memref_squeeze %dma_wait3A_303 : memref<1x50x128xf32, #tpu.memory_space<vmem>> -> memref<50x128xf32, #tpu.memory_space<vmem>>
      %dma_wait3A_305 = arith.constant 0 : i32
      %dma_wait3A_306 = tpu.memref_slice %arg5[%add3A_299, %dma_wait3A_305] : memref<128x50xi32, #tpu.memory_space<vmem>> -> memref<1x50xi32, #tpu.memory_space<vmem>>
      %dma_wait3A_307 = tpu.memref_squeeze %dma_wait3A_306 : memref<1x50xi32, #tpu.memory_space<vmem>> -> memref<50xi32, #tpu.memory_space<vmem>>
      %dma_wait3A_308 = arith.constant 0 : i32
      %dma_wait3A_309 = arith.constant 0 : i32
      %dma_wait3A_310 = tpu.memref_slice %arg3[%dma_wait3A_308, %dma_wait3A_309] : memref<100000x128xf32, #tpu.memory_space<hbm>> -> memref<100000x128xf32, #tpu.memory_space<hbm>>
      tpu.wait_indirect_dma semaphore(%arg16 : memref<!tpu.dma_semaphore, #tpu.memory_space<semaphore_mem>>) src(%dma_wait3A_310 : memref<100000x128xf32, #tpu.memory_space<hbm>>) dst(%dma_wait3A_304 : memref<50x128xf32, #tpu.memory_space<vmem>>)
      %mul3A_311 = arith.constant 2 : i32
      %mul3A_312 = arith.muli %add3A_295, %mul3A_311 : i32
      %add3A_313 = arith.constant 1 : i32
      %add3A_314 = arith.addi %mul3A_312, %add3A_313 : i32
      %dma_wait3A_315 = arith.constant 1 : i32
      %dma_wait3A_316 = arith.constant 0 : i32
      %dma_wait3A_317 = arith.constant 0 : i32
      %dma_wait3A_318 = tpu.memref_slice %arg8[%dma_wait3A_315, %dma_wait3A_316, %dma_wait3A_317] : memref<2x50x128xf32, #tpu.memory_space<vmem>> -> memref<1x50x128xf32, #tpu.memory_space<vmem>>
      %dma_wait3A_319 = tpu.memref_squeeze %dma_wait3A_318 : memref<1x50x128xf32, #tpu.memory_space<vmem>> -> memref<50x128xf32, #tpu.memory_space<vmem>>
      %dma_wait3A_320 = arith.constant 0 : i32
      %dma_wait3A_321 = tpu.memref_slice %arg5[%add3A_314, %dma_wait3A_320] : memref<128x50xi32, #tpu.memory_space<vmem>> -> memref<1x50xi32, #tpu.memory_space<vmem>>
      %dma_wait3A_322 = tpu.memref_squeeze %dma_wait3A_321 : memref<1x50xi32, #tpu.memory_space<vmem>> -> memref<50xi32, #tpu.memory_space<vmem>>
      %dma_wait3A_323 = arith.constant 0 : i32
      %dma_wait3A_324 = arith.constant 0 : i32
      %dma_wait3A_325 = tpu.memref_slice %arg3[%dma_wait3A_323, %dma_wait3A_324] : memref<100000x128xf32, #tpu.memory_space<hbm>> -> memref<100000x128xf32, #tpu.memory_space<hbm>>
      tpu.wait_indirect_dma semaphore(%arg16 : memref<!tpu.dma_semaphore, #tpu.memory_space<semaphore_mem>>) src(%dma_wait3A_325 : memref<100000x128xf32, #tpu.memory_space<hbm>>) dst(%dma_wait3A_319 : memref<50x128xf32, #tpu.memory_space<vmem>>)
      %mul3A_326 = arith.constant 2 : i32
      %mul3A_327 = arith.muli %add3A_295, %mul3A_326 : i32
      %add3A_328 = arith.addi %mul3A_2, %mul3A_327 : i32
      %dma_start3A_329 = arith.constant 0 : i32
      %dma_start3A_330 = arith.constant 0 : i32
      %dma_start3A_331 = tpu.memref_slice %arg4[%add3A_328, %dma_start3A_329, %dma_start3A_330] : memref<4096x50x128xf32, #tpu.memory_space<hbm>> -> memref<2x50x128xf32, #tpu.memory_space<hbm>>
      %dma_start3A_332 = arith.constant 0 : i32
      %dma_start3A_333 = arith.constant 0 : i32
      %dma_start3A_334 = tpu.memref_slice %arg4[%add3A_328, %dma_start3A_332, %dma_start3A_333] : memref<4096x50x128xf32, #tpu.memory_space<hbm>> -> memref<2x50x128xf32, #tpu.memory_space<hbm>>
      tpu.enqueue_dma source(%arg8 : memref<2x50x128xf32, #tpu.memory_space<vmem>>) target(%dma_start3A_334 : memref<2x50x128xf32, #tpu.memory_space<hbm>>) target_semaphore(%arg24 : memref<!tpu.dma_semaphore, #tpu.memory_space<semaphore_mem>>)
      %ge3A_335 = arith.constant 1 : i32
      %ge3A_336 = arith.cmpi sge, %add3A_295, %ge3A_335 : i32
      %convert_element_type3A_337 = arith.extui %ge3A_336 : i1 to i32
      %cond3A_338 = arith.constant 0 : i32
      %cond3A_339 = arith.cmpi ne, %convert_element_type3A_337, %cond3A_338 : i32
      scf.if %cond3A_339 {
        %sub3A_634 = arith.constant 1 : i32
        %sub3A_635 = arith.subi %add3A_295, %sub3A_634 : i32
        %mul3A_636 = arith.constant 2 : i32
        %mul3A_637 = arith.muli %sub3A_635, %mul3A_636 : i32
        %add3A_638 = arith.addi %mul3A_2, %mul3A_637 : i32
        %dma_wait3A_639 = arith.constant 0 : i32
        %dma_wait3A_640 = arith.constant 0 : i32
        %dma_wait3A_641 = tpu.memref_slice %arg4[%add3A_638, %dma_wait3A_639, %dma_wait3A_640] : memref<4096x50x128xf32, #tpu.memory_space<hbm>> -> memref<2x50x128xf32, #tpu.memory_space<hbm>>
        %dma_wait3A_642 = arith.constant 0 : i32
        %dma_wait3A_643 = arith.constant 0 : i32
        %dma_wait3A_644 = tpu.memref_slice %arg4[%add3A_638, %dma_wait3A_642, %dma_wait3A_643] : memref<4096x50x128xf32, #tpu.memory_space<hbm>> -> memref<2x50x128xf32, #tpu.memory_space<hbm>>
        tpu.wait_dma2 semaphore(%arg23 : memref<!tpu.dma_semaphore, #tpu.memory_space<semaphore_mem>>) src(%arg7 : memref<2x50x128xf32, #tpu.memory_space<vmem>>) dst(%dma_wait3A_644 : memref<2x50x128xf32, #tpu.memory_space<hbm>>)
      } else {
      }
      %add3A_340 = arith.constant 8 : i32
      %add3A_341 = arith.addi %add3A_295, %add3A_340 : i32
      %sub3A_342 = arith.constant 1 : i32
      %sub3A_343 = arith.subi %add3A_341, %sub3A_342 : i32
      %lt3A_344 = arith.constant 64 : i32
      %lt3A_345 = arith.cmpi slt, %sub3A_343, %lt3A_344 : i32
      %convert_element_type3A_346 = arith.extui %lt3A_345 : i1 to i32
      %cond3A_347 = arith.constant 0 : i32
      %cond3A_348 = arith.cmpi ne, %convert_element_type3A_346, %cond3A_347 : i32
      scf.if %cond3A_348 {
        %add3A_634 = arith.constant 8 : i32
        %add3A_635 = arith.addi %add3A_295, %add3A_634 : i32
        %sub3A_636 = arith.constant 1 : i32
        %sub3A_637 = arith.subi %add3A_635, %sub3A_636 : i32
        %mul3A_638 = arith.constant 2 : i32
        %mul3A_639 = arith.muli %sub3A_637, %mul3A_638 : i32
        %add3A_640 = arith.constant 0 : i32
        %add3A_641 = arith.addi %mul3A_639, %add3A_640 : i32
        %dma_start3A_642 = arith.constant 0 : i32
        %dma_start3A_643 = arith.constant 0 : i32
        %dma_start3A_644 = arith.constant 0 : i32
        %dma_start3A_645 = tpu.memref_slice %arg7[%dma_start3A_642, %dma_start3A_643, %dma_start3A_644] : memref<2x50x128xf32, #tpu.memory_space<vmem>> -> memref<1x50x128xf32, #tpu.memory_space<vmem>>
        %dma_start3A_646 = tpu.memref_squeeze %dma_start3A_645 : memref<1x50x128xf32, #tpu.memory_space<vmem>> -> memref<50x128xf32, #tpu.memory_space<vmem>>
        %dma_start3A_647 = arith.constant 0 : i32
        %dma_start3A_648 = tpu.memref_slice %arg5[%add3A_641, %dma_start3A_647] : memref<128x50xi32, #tpu.memory_space<vmem>> -> memref<1x50xi32, #tpu.memory_space<vmem>>
        %dma_start3A_649 = tpu.memref_squeeze %dma_start3A_648 : memref<1x50xi32, #tpu.memory_space<vmem>> -> memref<50xi32, #tpu.memory_space<vmem>>
        %dma_start3A_650 = arith.constant 0 : i32
        %dma_start3A_651 = arith.constant 0 : i32
        %dma_start3A_652 = tpu.memref_slice %arg3[%dma_start3A_650, %dma_start3A_651] : memref<100000x128xf32, #tpu.memory_space<hbm>> -> memref<100000x128xf32, #tpu.memory_space<hbm>>
        tpu.enqueue_indirect_dma source(%dma_start3A_652 : memref<100000x128xf32, #tpu.memory_space<hbm>>) target(%dma_start3A_646 : memref<50x128xf32, #tpu.memory_space<vmem>>) offsets(%dma_start3A_649 : memref<50xi32, #tpu.memory_space<vmem>>) semaphore(%arg15 : memref<!tpu.dma_semaphore, #tpu.memory_space<semaphore_mem>>)
        %mul3A_653 = arith.constant 2 : i32
        %mul3A_654 = arith.muli %sub3A_637, %mul3A_653 : i32
        %add3A_655 = arith.constant 1 : i32
        %add3A_656 = arith.addi %mul3A_654, %add3A_655 : i32
        %dma_start3A_657 = arith.constant 1 : i32
        %dma_start3A_658 = arith.constant 0 : i32
        %dma_start3A_659 = arith.constant 0 : i32
        %dma_start3A_660 = tpu.memref_slice %arg7[%dma_start3A_657, %dma_start3A_658, %dma_start3A_659] : memref<2x50x128xf32, #tpu.memory_space<vmem>> -> memref<1x50x128xf32, #tpu.memory_space<vmem>>
        %dma_start3A_661 = tpu.memref_squeeze %dma_start3A_660 : memref<1x50x128xf32, #tpu.memory_space<vmem>> -> memref<50x128xf32, #tpu.memory_space<vmem>>
        %dma_start3A_662 = arith.constant 0 : i32
        %dma_start3A_663 = tpu.memref_slice %arg5[%add3A_656, %dma_start3A_662] : memref<128x50xi32, #tpu.memory_space<vmem>> -> memref<1x50xi32, #tpu.memory_space<vmem>>
        %dma_start3A_664 = tpu.memref_squeeze %dma_start3A_663 : memref<1x50xi32, #tpu.memory_space<vmem>> -> memref<50xi32, #tpu.memory_space<vmem>>
        %dma_start3A_665 = arith.constant 0 : i32
        %dma_start3A_666 = arith.constant 0 : i32
        %dma_start3A_667 = tpu.memref_slice %arg3[%dma_start3A_665, %dma_start3A_666] : memref<100000x128xf32, #tpu.memory_space<hbm>> -> memref<100000x128xf32, #tpu.memory_space<hbm>>
        tpu.enqueue_indirect_dma source(%dma_start3A_667 : memref<100000x128xf32, #tpu.memory_space<hbm>>) target(%dma_start3A_661 : memref<50x128xf32, #tpu.memory_space<vmem>>) offsets(%dma_start3A_664 : memref<50xi32, #tpu.memory_space<vmem>>) semaphore(%arg15 : memref<!tpu.dma_semaphore, #tpu.memory_space<semaphore_mem>>)
      } else {
      }
      %mul3A_349 = arith.constant 8 : i32
      %mul3A_350 = arith.muli %scan3A_182, %mul3A_349 : i32
      %add3A_351 = arith.constant 3 : i32
      %add3A_352 = arith.addi %mul3A_350, %add3A_351 : i32
      %mul3A_353 = arith.constant 2 : i32
      %mul3A_354 = arith.muli %add3A_352, %mul3A_353 : i32
      %add3A_355 = arith.constant 0 : i32
      %add3A_356 = arith.addi %mul3A_354, %add3A_355 : i32
      %dma_wait3A_357 = arith.constant 0 : i32
      %dma_wait3A_358 = arith.constant 0 : i32
      %dma_wait3A_359 = arith.constant 0 : i32
      %dma_wait3A_360 = tpu.memref_slice %arg9[%dma_wait3A_357, %dma_wait3A_358, %dma_wait3A_359] : memref<2x50x128xf32, #tpu.memory_space<vmem>> -> memref<1x50x128xf32, #tpu.memory_space<vmem>>
      %dma_wait3A_361 = tpu.memref_squeeze %dma_wait3A_360 : memref<1x50x128xf32, #tpu.memory_space<vmem>> -> memref<50x128xf32, #tpu.memory_space<vmem>>
      %dma_wait3A_362 = arith.constant 0 : i32
      %dma_wait3A_363 = tpu.memref_slice %arg5[%add3A_356, %dma_wait3A_362] : memref<128x50xi32, #tpu.memory_space<vmem>> -> memref<1x50xi32, #tpu.memory_space<vmem>>
      %dma_wait3A_364 = tpu.memref_squeeze %dma_wait3A_363 : memref<1x50xi32, #tpu.memory_space<vmem>> -> memref<50xi32, #tpu.memory_space<vmem>>
      %dma_wait3A_365 = arith.constant 0 : i32
      %dma_wait3A_366 = arith.constant 0 : i32
      %dma_wait3A_367 = tpu.memref_slice %arg3[%dma_wait3A_365, %dma_wait3A_366] : memref<100000x128xf32, #tpu.memory_space<hbm>> -> memref<100000x128xf32, #tpu.memory_space<hbm>>
      tpu.wait_indirect_dma semaphore(%arg17 : memref<!tpu.dma_semaphore, #tpu.memory_space<semaphore_mem>>) src(%dma_wait3A_367 : memref<100000x128xf32, #tpu.memory_space<hbm>>) dst(%dma_wait3A_361 : memref<50x128xf32, #tpu.memory_space<vmem>>)
      %mul3A_368 = arith.constant 2 : i32
      %mul3A_369 = arith.muli %add3A_352, %mul3A_368 : i32
      %add3A_370 = arith.constant 1 : i32
      %add3A_371 = arith.addi %mul3A_369, %add3A_370 : i32
      %dma_wait3A_372 = arith.constant 1 : i32
      %dma_wait3A_373 = arith.constant 0 : i32
      %dma_wait3A_374 = arith.constant 0 : i32
      %dma_wait3A_375 = tpu.memref_slice %arg9[%dma_wait3A_372, %dma_wait3A_373, %dma_wait3A_374] : memref<2x50x128xf32, #tpu.memory_space<vmem>> -> memref<1x50x128xf32, #tpu.memory_space<vmem>>
      %dma_wait3A_376 = tpu.memref_squeeze %dma_wait3A_375 : memref<1x50x128xf32, #tpu.memory_space<vmem>> -> memref<50x128xf32, #tpu.memory_space<vmem>>
      %dma_wait3A_377 = arith.constant 0 : i32
      %dma_wait3A_378 = tpu.memref_slice %arg5[%add3A_371, %dma_wait3A_377] : memref<128x50xi32, #tpu.memory_space<vmem>> -> memref<1x50xi32, #tpu.memory_space<vmem>>
      %dma_wait3A_379 = tpu.memref_squeeze %dma_wait3A_378 : memref<1x50xi32, #tpu.memory_space<vmem>> -> memref<50xi32, #tpu.memory_space<vmem>>
      %dma_wait3A_380 = arith.constant 0 : i32
      %dma_wait3A_381 = arith.constant 0 : i32
      %dma_wait3A_382 = tpu.memref_slice %arg3[%dma_wait3A_380, %dma_wait3A_381] : memref<100000x128xf32, #tpu.memory_space<hbm>> -> memref<100000x128xf32, #tpu.memory_space<hbm>>
      tpu.wait_indirect_dma semaphore(%arg17 : memref<!tpu.dma_semaphore, #tpu.memory_space<semaphore_mem>>) src(%dma_wait3A_382 : memref<100000x128xf32, #tpu.memory_space<hbm>>) dst(%dma_wait3A_376 : memref<50x128xf32, #tpu.memory_space<vmem>>)
      %mul3A_383 = arith.constant 2 : i32
      %mul3A_384 = arith.muli %add3A_352, %mul3A_383 : i32
      %add3A_385 = arith.addi %mul3A_2, %mul3A_384 : i32
      %dma_start3A_386 = arith.constant 0 : i32
      %dma_start3A_387 = arith.constant 0 : i32
      %dma_start3A_388 = tpu.memref_slice %arg4[%add3A_385, %dma_start3A_386, %dma_start3A_387] : memref<4096x50x128xf32, #tpu.memory_space<hbm>> -> memref<2x50x128xf32, #tpu.memory_space<hbm>>
      %dma_start3A_389 = arith.constant 0 : i32
      %dma_start3A_390 = arith.constant 0 : i32
      %dma_start3A_391 = tpu.memref_slice %arg4[%add3A_385, %dma_start3A_389, %dma_start3A_390] : memref<4096x50x128xf32, #tpu.memory_space<hbm>> -> memref<2x50x128xf32, #tpu.memory_space<hbm>>
      tpu.enqueue_dma source(%arg9 : memref<2x50x128xf32, #tpu.memory_space<vmem>>) target(%dma_start3A_391 : memref<2x50x128xf32, #tpu.memory_space<hbm>>) target_semaphore(%arg25 : memref<!tpu.dma_semaphore, #tpu.memory_space<semaphore_mem>>)
      %ge3A_392 = arith.constant 1 : i32
      %ge3A_393 = arith.cmpi sge, %add3A_352, %ge3A_392 : i32
      %convert_element_type3A_394 = arith.extui %ge3A_393 : i1 to i32
      %cond3A_395 = arith.constant 0 : i32
      %cond3A_396 = arith.cmpi ne, %convert_element_type3A_394, %cond3A_395 : i32
      scf.if %cond3A_396 {
        %sub3A_634 = arith.constant 1 : i32
        %sub3A_635 = arith.subi %add3A_352, %sub3A_634 : i32
        %mul3A_636 = arith.constant 2 : i32
        %mul3A_637 = arith.muli %sub3A_635, %mul3A_636 : i32
        %add3A_638 = arith.addi %mul3A_2, %mul3A_637 : i32
        %dma_wait3A_639 = arith.constant 0 : i32
        %dma_wait3A_640 = arith.constant 0 : i32
        %dma_wait3A_641 = tpu.memref_slice %arg4[%add3A_638, %dma_wait3A_639, %dma_wait3A_640] : memref<4096x50x128xf32, #tpu.memory_space<hbm>> -> memref<2x50x128xf32, #tpu.memory_space<hbm>>
        %dma_wait3A_642 = arith.constant 0 : i32
        %dma_wait3A_643 = arith.constant 0 : i32
        %dma_wait3A_644 = tpu.memref_slice %arg4[%add3A_638, %dma_wait3A_642, %dma_wait3A_643] : memref<4096x50x128xf32, #tpu.memory_space<hbm>> -> memref<2x50x128xf32, #tpu.memory_space<hbm>>
        tpu.wait_dma2 semaphore(%arg24 : memref<!tpu.dma_semaphore, #tpu.memory_space<semaphore_mem>>) src(%arg8 : memref<2x50x128xf32, #tpu.memory_space<vmem>>) dst(%dma_wait3A_644 : memref<2x50x128xf32, #tpu.memory_space<hbm>>)
      } else {
      }
      %add3A_397 = arith.constant 8 : i32
      %add3A_398 = arith.addi %add3A_352, %add3A_397 : i32
      %sub3A_399 = arith.constant 1 : i32
      %sub3A_400 = arith.subi %add3A_398, %sub3A_399 : i32
      %lt3A_401 = arith.constant 64 : i32
      %lt3A_402 = arith.cmpi slt, %sub3A_400, %lt3A_401 : i32
      %convert_element_type3A_403 = arith.extui %lt3A_402 : i1 to i32
      %cond3A_404 = arith.constant 0 : i32
      %cond3A_405 = arith.cmpi ne, %convert_element_type3A_403, %cond3A_404 : i32
      scf.if %cond3A_405 {
        %add3A_634 = arith.constant 8 : i32
        %add3A_635 = arith.addi %add3A_352, %add3A_634 : i32
        %sub3A_636 = arith.constant 1 : i32
        %sub3A_637 = arith.subi %add3A_635, %sub3A_636 : i32
        %mul3A_638 = arith.constant 2 : i32
        %mul3A_639 = arith.muli %sub3A_637, %mul3A_638 : i32
        %add3A_640 = arith.constant 0 : i32
        %add3A_641 = arith.addi %mul3A_639, %add3A_640 : i32
        %dma_start3A_642 = arith.constant 0 : i32
        %dma_start3A_643 = arith.constant 0 : i32
        %dma_start3A_644 = arith.constant 0 : i32
        %dma_start3A_645 = tpu.memref_slice %arg8[%dma_start3A_642, %dma_start3A_643, %dma_start3A_644] : memref<2x50x128xf32, #tpu.memory_space<vmem>> -> memref<1x50x128xf32, #tpu.memory_space<vmem>>
        %dma_start3A_646 = tpu.memref_squeeze %dma_start3A_645 : memref<1x50x128xf32, #tpu.memory_space<vmem>> -> memref<50x128xf32, #tpu.memory_space<vmem>>
        %dma_start3A_647 = arith.constant 0 : i32
        %dma_start3A_648 = tpu.memref_slice %arg5[%add3A_641, %dma_start3A_647] : memref<128x50xi32, #tpu.memory_space<vmem>> -> memref<1x50xi32, #tpu.memory_space<vmem>>
        %dma_start3A_649 = tpu.memref_squeeze %dma_start3A_648 : memref<1x50xi32, #tpu.memory_space<vmem>> -> memref<50xi32, #tpu.memory_space<vmem>>
        %dma_start3A_650 = arith.constant 0 : i32
        %dma_start3A_651 = arith.constant 0 : i32
        %dma_start3A_652 = tpu.memref_slice %arg3[%dma_start3A_650, %dma_start3A_651] : memref<100000x128xf32, #tpu.memory_space<hbm>> -> memref<100000x128xf32, #tpu.memory_space<hbm>>
        tpu.enqueue_indirect_dma source(%dma_start3A_652 : memref<100000x128xf32, #tpu.memory_space<hbm>>) target(%dma_start3A_646 : memref<50x128xf32, #tpu.memory_space<vmem>>) offsets(%dma_start3A_649 : memref<50xi32, #tpu.memory_space<vmem>>) semaphore(%arg16 : memref<!tpu.dma_semaphore, #tpu.memory_space<semaphore_mem>>)
        %mul3A_653 = arith.constant 2 : i32
        %mul3A_654 = arith.muli %sub3A_637, %mul3A_653 : i32
        %add3A_655 = arith.constant 1 : i32
        %add3A_656 = arith.addi %mul3A_654, %add3A_655 : i32
        %dma_start3A_657 = arith.constant 1 : i32
        %dma_start3A_658 = arith.constant 0 : i32
        %dma_start3A_659 = arith.constant 0 : i32
        %dma_start3A_660 = tpu.memref_slice %arg8[%dma_start3A_657, %dma_start3A_658, %dma_start3A_659] : memref<2x50x128xf32, #tpu.memory_space<vmem>> -> memref<1x50x128xf32, #tpu.memory_space<vmem>>
        %dma_start3A_661 = tpu.memref_squeeze %dma_start3A_660 : memref<1x50x128xf32, #tpu.memory_space<vmem>> -> memref<50x128xf32, #tpu.memory_space<vmem>>
        %dma_start3A_662 = arith.constant 0 : i32
        %dma_start3A_663 = tpu.memref_slice %arg5[%add3A_656, %dma_start3A_662] : memref<128x50xi32, #tpu.memory_space<vmem>> -> memref<1x50xi32, #tpu.memory_space<vmem>>
        %dma_start3A_664 = tpu.memref_squeeze %dma_start3A_663 : memref<1x50xi32, #tpu.memory_space<vmem>> -> memref<50xi32, #tpu.memory_space<vmem>>
        %dma_start3A_665 = arith.constant 0 : i32
        %dma_start3A_666 = arith.constant 0 : i32
        %dma_start3A_667 = tpu.memref_slice %arg3[%dma_start3A_665, %dma_start3A_666] : memref<100000x128xf32, #tpu.memory_space<hbm>> -> memref<100000x128xf32, #tpu.memory_space<hbm>>
        tpu.enqueue_indirect_dma source(%dma_start3A_667 : memref<100000x128xf32, #tpu.memory_space<hbm>>) target(%dma_start3A_661 : memref<50x128xf32, #tpu.memory_space<vmem>>) offsets(%dma_start3A_664 : memref<50xi32, #tpu.memory_space<vmem>>) semaphore(%arg16 : memref<!tpu.dma_semaphore, #tpu.memory_space<semaphore_mem>>)
      } else {
      }
      %mul3A_406 = arith.constant 8 : i32
      %mul3A_407 = arith.muli %scan3A_182, %mul3A_406 : i32
      %add3A_408 = arith.constant 4 : i32
      %add3A_409 = arith.addi %mul3A_407, %add3A_408 : i32
      %mul3A_410 = arith.constant 2 : i32
      %mul3A_411 = arith.muli %add3A_409, %mul3A_410 : i32
      %add3A_412 = arith.constant 0 : i32
      %add3A_413 = arith.addi %mul3A_411, %add3A_412 : i32
      %dma_wait3A_414 = arith.constant 0 : i32
      %dma_wait3A_415 = arith.constant 0 : i32
      %dma_wait3A_416 = arith.constant 0 : i32
      %dma_wait3A_417 = tpu.memref_slice %arg10[%dma_wait3A_414, %dma_wait3A_415, %dma_wait3A_416] : memref<2x50x128xf32, #tpu.memory_space<vmem>> -> memref<1x50x128xf32, #tpu.memory_space<vmem>>
      %dma_wait3A_418 = tpu.memref_squeeze %dma_wait3A_417 : memref<1x50x128xf32, #tpu.memory_space<vmem>> -> memref<50x128xf32, #tpu.memory_space<vmem>>
      %dma_wait3A_419 = arith.constant 0 : i32
      %dma_wait3A_420 = tpu.memref_slice %arg5[%add3A_413, %dma_wait3A_419] : memref<128x50xi32, #tpu.memory_space<vmem>> -> memref<1x50xi32, #tpu.memory_space<vmem>>
      %dma_wait3A_421 = tpu.memref_squeeze %dma_wait3A_420 : memref<1x50xi32, #tpu.memory_space<vmem>> -> memref<50xi32, #tpu.memory_space<vmem>>
      %dma_wait3A_422 = arith.constant 0 : i32
      %dma_wait3A_423 = arith.constant 0 : i32
      %dma_wait3A_424 = tpu.memref_slice %arg3[%dma_wait3A_422, %dma_wait3A_423] : memref<100000x128xf32, #tpu.memory_space<hbm>> -> memref<100000x128xf32, #tpu.memory_space<hbm>>
      tpu.wait_indirect_dma semaphore(%arg18 : memref<!tpu.dma_semaphore, #tpu.memory_space<semaphore_mem>>) src(%dma_wait3A_424 : memref<100000x128xf32, #tpu.memory_space<hbm>>) dst(%dma_wait3A_418 : memref<50x128xf32, #tpu.memory_space<vmem>>)
      %mul3A_425 = arith.constant 2 : i32
      %mul3A_426 = arith.muli %add3A_409, %mul3A_425 : i32
      %add3A_427 = arith.constant 1 : i32
      %add3A_428 = arith.addi %mul3A_426, %add3A_427 : i32
      %dma_wait3A_429 = arith.constant 1 : i32
      %dma_wait3A_430 = arith.constant 0 : i32
      %dma_wait3A_431 = arith.constant 0 : i32
      %dma_wait3A_432 = tpu.memref_slice %arg10[%dma_wait3A_429, %dma_wait3A_430, %dma_wait3A_431] : memref<2x50x128xf32, #tpu.memory_space<vmem>> -> memref<1x50x128xf32, #tpu.memory_space<vmem>>
      %dma_wait3A_433 = tpu.memref_squeeze %dma_wait3A_432 : memref<1x50x128xf32, #tpu.memory_space<vmem>> -> memref<50x128xf32, #tpu.memory_space<vmem>>
      %dma_wait3A_434 = arith.constant 0 : i32
      %dma_wait3A_435 = tpu.memref_slice %arg5[%add3A_428, %dma_wait3A_434] : memref<128x50xi32, #tpu.memory_space<vmem>> -> memref<1x50xi32, #tpu.memory_space<vmem>>
      %dma_wait3A_436 = tpu.memref_squeeze %dma_wait3A_435 : memref<1x50xi32, #tpu.memory_space<vmem>> -> memref<50xi32, #tpu.memory_space<vmem>>
      %dma_wait3A_437 = arith.constant 0 : i32
      %dma_wait3A_438 = arith.constant 0 : i32
      %dma_wait3A_439 = tpu.memref_slice %arg3[%dma_wait3A_437, %dma_wait3A_438] : memref<100000x128xf32, #tpu.memory_space<hbm>> -> memref<100000x128xf32, #tpu.memory_space<hbm>>
      tpu.wait_indirect_dma semaphore(%arg18 : memref<!tpu.dma_semaphore, #tpu.memory_space<semaphore_mem>>) src(%dma_wait3A_439 : memref<100000x128xf32, #tpu.memory_space<hbm>>) dst(%dma_wait3A_433 : memref<50x128xf32, #tpu.memory_space<vmem>>)
      %mul3A_440 = arith.constant 2 : i32
      %mul3A_441 = arith.muli %add3A_409, %mul3A_440 : i32
      %add3A_442 = arith.addi %mul3A_2, %mul3A_441 : i32
      %dma_start3A_443 = arith.constant 0 : i32
      %dma_start3A_444 = arith.constant 0 : i32
      %dma_start3A_445 = tpu.memref_slice %arg4[%add3A_442, %dma_start3A_443, %dma_start3A_444] : memref<4096x50x128xf32, #tpu.memory_space<hbm>> -> memref<2x50x128xf32, #tpu.memory_space<hbm>>
      %dma_start3A_446 = arith.constant 0 : i32
      %dma_start3A_447 = arith.constant 0 : i32
      %dma_start3A_448 = tpu.memref_slice %arg4[%add3A_442, %dma_start3A_446, %dma_start3A_447] : memref<4096x50x128xf32, #tpu.memory_space<hbm>> -> memref<2x50x128xf32, #tpu.memory_space<hbm>>
      tpu.enqueue_dma source(%arg10 : memref<2x50x128xf32, #tpu.memory_space<vmem>>) target(%dma_start3A_448 : memref<2x50x128xf32, #tpu.memory_space<hbm>>) target_semaphore(%arg26 : memref<!tpu.dma_semaphore, #tpu.memory_space<semaphore_mem>>)
      %ge3A_449 = arith.constant 1 : i32
      %ge3A_450 = arith.cmpi sge, %add3A_409, %ge3A_449 : i32
      %convert_element_type3A_451 = arith.extui %ge3A_450 : i1 to i32
      %cond3A_452 = arith.constant 0 : i32
      %cond3A_453 = arith.cmpi ne, %convert_element_type3A_451, %cond3A_452 : i32
      scf.if %cond3A_453 {
        %sub3A_634 = arith.constant 1 : i32
        %sub3A_635 = arith.subi %add3A_409, %sub3A_634 : i32
        %mul3A_636 = arith.constant 2 : i32
        %mul3A_637 = arith.muli %sub3A_635, %mul3A_636 : i32
        %add3A_638 = arith.addi %mul3A_2, %mul3A_637 : i32
        %dma_wait3A_639 = arith.constant 0 : i32
        %dma_wait3A_640 = arith.constant 0 : i32
        %dma_wait3A_641 = tpu.memref_slice %arg4[%add3A_638, %dma_wait3A_639, %dma_wait3A_640] : memref<4096x50x128xf32, #tpu.memory_space<hbm>> -> memref<2x50x128xf32, #tpu.memory_space<hbm>>
        %dma_wait3A_642 = arith.constant 0 : i32
        %dma_wait3A_643 = arith.constant 0 : i32
        %dma_wait3A_644 = tpu.memref_slice %arg4[%add3A_638, %dma_wait3A_642, %dma_wait3A_643] : memref<4096x50x128xf32, #tpu.memory_space<hbm>> -> memref<2x50x128xf32, #tpu.memory_space<hbm>>
        tpu.wait_dma2 semaphore(%arg25 : memref<!tpu.dma_semaphore, #tpu.memory_space<semaphore_mem>>) src(%arg9 : memref<2x50x128xf32, #tpu.memory_space<vmem>>) dst(%dma_wait3A_644 : memref<2x50x128xf32, #tpu.memory_space<hbm>>)
      } else {
      }
      %add3A_454 = arith.constant 8 : i32
      %add3A_455 = arith.addi %add3A_409, %add3A_454 : i32
      %sub3A_456 = arith.constant 1 : i32
      %sub3A_457 = arith.subi %add3A_455, %sub3A_456 : i32
      %lt3A_458 = arith.constant 64 : i32
      %lt3A_459 = arith.cmpi slt, %sub3A_457, %lt3A_458 : i32
      %convert_element_type3A_460 = arith.extui %lt3A_459 : i1 to i32
      %cond3A_461 = arith.constant 0 : i32
      %cond3A_462 = arith.cmpi ne, %convert_element_type3A_460, %cond3A_461 : i32
      scf.if %cond3A_462 {
        %add3A_634 = arith.constant 8 : i32
        %add3A_635 = arith.addi %add3A_409, %add3A_634 : i32
        %sub3A_636 = arith.constant 1 : i32
        %sub3A_637 = arith.subi %add3A_635, %sub3A_636 : i32
        %mul3A_638 = arith.constant 2 : i32
        %mul3A_639 = arith.muli %sub3A_637, %mul3A_638 : i32
        %add3A_640 = arith.constant 0 : i32
        %add3A_641 = arith.addi %mul3A_639, %add3A_640 : i32
        %dma_start3A_642 = arith.constant 0 : i32
        %dma_start3A_643 = arith.constant 0 : i32
        %dma_start3A_644 = arith.constant 0 : i32
        %dma_start3A_645 = tpu.memref_slice %arg9[%dma_start3A_642, %dma_start3A_643, %dma_start3A_644] : memref<2x50x128xf32, #tpu.memory_space<vmem>> -> memref<1x50x128xf32, #tpu.memory_space<vmem>>
        %dma_start3A_646 = tpu.memref_squeeze %dma_start3A_645 : memref<1x50x128xf32, #tpu.memory_space<vmem>> -> memref<50x128xf32, #tpu.memory_space<vmem>>
        %dma_start3A_647 = arith.constant 0 : i32
        %dma_start3A_648 = tpu.memref_slice %arg5[%add3A_641, %dma_start3A_647] : memref<128x50xi32, #tpu.memory_space<vmem>> -> memref<1x50xi32, #tpu.memory_space<vmem>>
        %dma_start3A_649 = tpu.memref_squeeze %dma_start3A_648 : memref<1x50xi32, #tpu.memory_space<vmem>> -> memref<50xi32, #tpu.memory_space<vmem>>
        %dma_start3A_650 = arith.constant 0 : i32
        %dma_start3A_651 = arith.constant 0 : i32
        %dma_start3A_652 = tpu.memref_slice %arg3[%dma_start3A_650, %dma_start3A_651] : memref<100000x128xf32, #tpu.memory_space<hbm>> -> memref<100000x128xf32, #tpu.memory_space<hbm>>
        tpu.enqueue_indirect_dma source(%dma_start3A_652 : memref<100000x128xf32, #tpu.memory_space<hbm>>) target(%dma_start3A_646 : memref<50x128xf32, #tpu.memory_space<vmem>>) offsets(%dma_start3A_649 : memref<50xi32, #tpu.memory_space<vmem>>) semaphore(%arg17 : memref<!tpu.dma_semaphore, #tpu.memory_space<semaphore_mem>>)
        %mul3A_653 = arith.constant 2 : i32
        %mul3A_654 = arith.muli %sub3A_637, %mul3A_653 : i32
        %add3A_655 = arith.constant 1 : i32
        %add3A_656 = arith.addi %mul3A_654, %add3A_655 : i32
        %dma_start3A_657 = arith.constant 1 : i32
        %dma_start3A_658 = arith.constant 0 : i32
        %dma_start3A_659 = arith.constant 0 : i32
        %dma_start3A_660 = tpu.memref_slice %arg9[%dma_start3A_657, %dma_start3A_658, %dma_start3A_659] : memref<2x50x128xf32, #tpu.memory_space<vmem>> -> memref<1x50x128xf32, #tpu.memory_space<vmem>>
        %dma_start3A_661 = tpu.memref_squeeze %dma_start3A_660 : memref<1x50x128xf32, #tpu.memory_space<vmem>> -> memref<50x128xf32, #tpu.memory_space<vmem>>
        %dma_start3A_662 = arith.constant 0 : i32
        %dma_start3A_663 = tpu.memref_slice %arg5[%add3A_656, %dma_start3A_662] : memref<128x50xi32, #tpu.memory_space<vmem>> -> memref<1x50xi32, #tpu.memory_space<vmem>>
        %dma_start3A_664 = tpu.memref_squeeze %dma_start3A_663 : memref<1x50xi32, #tpu.memory_space<vmem>> -> memref<50xi32, #tpu.memory_space<vmem>>
        %dma_start3A_665 = arith.constant 0 : i32
        %dma_start3A_666 = arith.constant 0 : i32
        %dma_start3A_667 = tpu.memref_slice %arg3[%dma_start3A_665, %dma_start3A_666] : memref<100000x128xf32, #tpu.memory_space<hbm>> -> memref<100000x128xf32, #tpu.memory_space<hbm>>
        tpu.enqueue_indirect_dma source(%dma_start3A_667 : memref<100000x128xf32, #tpu.memory_space<hbm>>) target(%dma_start3A_661 : memref<50x128xf32, #tpu.memory_space<vmem>>) offsets(%dma_start3A_664 : memref<50xi32, #tpu.memory_space<vmem>>) semaphore(%arg17 : memref<!tpu.dma_semaphore, #tpu.memory_space<semaphore_mem>>)
      } else {
      }
      %mul3A_463 = arith.constant 8 : i32
      %mul3A_464 = arith.muli %scan3A_182, %mul3A_463 : i32
      %add3A_465 = arith.constant 5 : i32
      %add3A_466 = arith.addi %mul3A_464, %add3A_465 : i32
      %mul3A_467 = arith.constant 2 : i32
      %mul3A_468 = arith.muli %add3A_466, %mul3A_467 : i32
      %add3A_469 = arith.constant 0 : i32
      %add3A_470 = arith.addi %mul3A_468, %add3A_469 : i32
      %dma_wait3A_471 = arith.constant 0 : i32
      %dma_wait3A_472 = arith.constant 0 : i32
      %dma_wait3A_473 = arith.constant 0 : i32
      %dma_wait3A_474 = tpu.memref_slice %arg11[%dma_wait3A_471, %dma_wait3A_472, %dma_wait3A_473] : memref<2x50x128xf32, #tpu.memory_space<vmem>> -> memref<1x50x128xf32, #tpu.memory_space<vmem>>
      %dma_wait3A_475 = tpu.memref_squeeze %dma_wait3A_474 : memref<1x50x128xf32, #tpu.memory_space<vmem>> -> memref<50x128xf32, #tpu.memory_space<vmem>>
      %dma_wait3A_476 = arith.constant 0 : i32
      %dma_wait3A_477 = tpu.memref_slice %arg5[%add3A_470, %dma_wait3A_476] : memref<128x50xi32, #tpu.memory_space<vmem>> -> memref<1x50xi32, #tpu.memory_space<vmem>>
      %dma_wait3A_478 = tpu.memref_squeeze %dma_wait3A_477 : memref<1x50xi32, #tpu.memory_space<vmem>> -> memref<50xi32, #tpu.memory_space<vmem>>
      %dma_wait3A_479 = arith.constant 0 : i32
      %dma_wait3A_480 = arith.constant 0 : i32
      %dma_wait3A_481 = tpu.memref_slice %arg3[%dma_wait3A_479, %dma_wait3A_480] : memref<100000x128xf32, #tpu.memory_space<hbm>> -> memref<100000x128xf32, #tpu.memory_space<hbm>>
      tpu.wait_indirect_dma semaphore(%arg19 : memref<!tpu.dma_semaphore, #tpu.memory_space<semaphore_mem>>) src(%dma_wait3A_481 : memref<100000x128xf32, #tpu.memory_space<hbm>>) dst(%dma_wait3A_475 : memref<50x128xf32, #tpu.memory_space<vmem>>)
      %mul3A_482 = arith.constant 2 : i32
      %mul3A_483 = arith.muli %add3A_466, %mul3A_482 : i32
      %add3A_484 = arith.constant 1 : i32
      %add3A_485 = arith.addi %mul3A_483, %add3A_484 : i32
      %dma_wait3A_486 = arith.constant 1 : i32
      %dma_wait3A_487 = arith.constant 0 : i32
      %dma_wait3A_488 = arith.constant 0 : i32
      %dma_wait3A_489 = tpu.memref_slice %arg11[%dma_wait3A_486, %dma_wait3A_487, %dma_wait3A_488] : memref<2x50x128xf32, #tpu.memory_space<vmem>> -> memref<1x50x128xf32, #tpu.memory_space<vmem>>
      %dma_wait3A_490 = tpu.memref_squeeze %dma_wait3A_489 : memref<1x50x128xf32, #tpu.memory_space<vmem>> -> memref<50x128xf32, #tpu.memory_space<vmem>>
      %dma_wait3A_491 = arith.constant 0 : i32
      %dma_wait3A_492 = tpu.memref_slice %arg5[%add3A_485, %dma_wait3A_491] : memref<128x50xi32, #tpu.memory_space<vmem>> -> memref<1x50xi32, #tpu.memory_space<vmem>>
      %dma_wait3A_493 = tpu.memref_squeeze %dma_wait3A_492 : memref<1x50xi32, #tpu.memory_space<vmem>> -> memref<50xi32, #tpu.memory_space<vmem>>
      %dma_wait3A_494 = arith.constant 0 : i32
      %dma_wait3A_495 = arith.constant 0 : i32
      %dma_wait3A_496 = tpu.memref_slice %arg3[%dma_wait3A_494, %dma_wait3A_495] : memref<100000x128xf32, #tpu.memory_space<hbm>> -> memref<100000x128xf32, #tpu.memory_space<hbm>>
      tpu.wait_indirect_dma semaphore(%arg19 : memref<!tpu.dma_semaphore, #tpu.memory_space<semaphore_mem>>) src(%dma_wait3A_496 : memref<100000x128xf32, #tpu.memory_space<hbm>>) dst(%dma_wait3A_490 : memref<50x128xf32, #tpu.memory_space<vmem>>)
      %mul3A_497 = arith.constant 2 : i32
      %mul3A_498 = arith.muli %add3A_466, %mul3A_497 : i32
      %add3A_499 = arith.addi %mul3A_2, %mul3A_498 : i32
      %dma_start3A_500 = arith.constant 0 : i32
      %dma_start3A_501 = arith.constant 0 : i32
      %dma_start3A_502 = tpu.memref_slice %arg4[%add3A_499, %dma_start3A_500, %dma_start3A_501] : memref<4096x50x128xf32, #tpu.memory_space<hbm>> -> memref<2x50x128xf32, #tpu.memory_space<hbm>>
      %dma_start3A_503 = arith.constant 0 : i32
      %dma_start3A_504 = arith.constant 0 : i32
      %dma_start3A_505 = tpu.memref_slice %arg4[%add3A_499, %dma_start3A_503, %dma_start3A_504] : memref<4096x50x128xf32, #tpu.memory_space<hbm>> -> memref<2x50x128xf32, #tpu.memory_space<hbm>>
      tpu.enqueue_dma source(%arg11 : memref<2x50x128xf32, #tpu.memory_space<vmem>>) target(%dma_start3A_505 : memref<2x50x128xf32, #tpu.memory_space<hbm>>) target_semaphore(%arg27 : memref<!tpu.dma_semaphore, #tpu.memory_space<semaphore_mem>>)
      %ge3A_506 = arith.constant 1 : i32
      %ge3A_507 = arith.cmpi sge, %add3A_466, %ge3A_506 : i32
      %convert_element_type3A_508 = arith.extui %ge3A_507 : i1 to i32
      %cond3A_509 = arith.constant 0 : i32
      %cond3A_510 = arith.cmpi ne, %convert_element_type3A_508, %cond3A_509 : i32
      scf.if %cond3A_510 {
        %sub3A_634 = arith.constant 1 : i32
        %sub3A_635 = arith.subi %add3A_466, %sub3A_634 : i32
        %mul3A_636 = arith.constant 2 : i32
        %mul3A_637 = arith.muli %sub3A_635, %mul3A_636 : i32
        %add3A_638 = arith.addi %mul3A_2, %mul3A_637 : i32
        %dma_wait3A_639 = arith.constant 0 : i32
        %dma_wait3A_640 = arith.constant 0 : i32
        %dma_wait3A_641 = tpu.memref_slice %arg4[%add3A_638, %dma_wait3A_639, %dma_wait3A_640] : memref<4096x50x128xf32, #tpu.memory_space<hbm>> -> memref<2x50x128xf32, #tpu.memory_space<hbm>>
        %dma_wait3A_642 = arith.constant 0 : i32
        %dma_wait3A_643 = arith.constant 0 : i32
        %dma_wait3A_644 = tpu.memref_slice %arg4[%add3A_638, %dma_wait3A_642, %dma_wait3A_643] : memref<4096x50x128xf32, #tpu.memory_space<hbm>> -> memref<2x50x128xf32, #tpu.memory_space<hbm>>
        tpu.wait_dma2 semaphore(%arg26 : memref<!tpu.dma_semaphore, #tpu.memory_space<semaphore_mem>>) src(%arg10 : memref<2x50x128xf32, #tpu.memory_space<vmem>>) dst(%dma_wait3A_644 : memref<2x50x128xf32, #tpu.memory_space<hbm>>)
      } else {
      }
      %add3A_511 = arith.constant 8 : i32
      %add3A_512 = arith.addi %add3A_466, %add3A_511 : i32
      %sub3A_513 = arith.constant 1 : i32
      %sub3A_514 = arith.subi %add3A_512, %sub3A_513 : i32
      %lt3A_515 = arith.constant 64 : i32
      %lt3A_516 = arith.cmpi slt, %sub3A_514, %lt3A_515 : i32
      %convert_element_type3A_517 = arith.extui %lt3A_516 : i1 to i32
      %cond3A_518 = arith.constant 0 : i32
      %cond3A_519 = arith.cmpi ne, %convert_element_type3A_517, %cond3A_518 : i32
      scf.if %cond3A_519 {
        %add3A_634 = arith.constant 8 : i32
        %add3A_635 = arith.addi %add3A_466, %add3A_634 : i32
        %sub3A_636 = arith.constant 1 : i32
        %sub3A_637 = arith.subi %add3A_635, %sub3A_636 : i32
        %mul3A_638 = arith.constant 2 : i32
        %mul3A_639 = arith.muli %sub3A_637, %mul3A_638 : i32
        %add3A_640 = arith.constant 0 : i32
        %add3A_641 = arith.addi %mul3A_639, %add3A_640 : i32
        %dma_start3A_642 = arith.constant 0 : i32
        %dma_start3A_643 = arith.constant 0 : i32
        %dma_start3A_644 = arith.constant 0 : i32
        %dma_start3A_645 = tpu.memref_slice %arg10[%dma_start3A_642, %dma_start3A_643, %dma_start3A_644] : memref<2x50x128xf32, #tpu.memory_space<vmem>> -> memref<1x50x128xf32, #tpu.memory_space<vmem>>
        %dma_start3A_646 = tpu.memref_squeeze %dma_start3A_645 : memref<1x50x128xf32, #tpu.memory_space<vmem>> -> memref<50x128xf32, #tpu.memory_space<vmem>>
        %dma_start3A_647 = arith.constant 0 : i32
        %dma_start3A_648 = tpu.memref_slice %arg5[%add3A_641, %dma_start3A_647] : memref<128x50xi32, #tpu.memory_space<vmem>> -> memref<1x50xi32, #tpu.memory_space<vmem>>
        %dma_start3A_649 = tpu.memref_squeeze %dma_start3A_648 : memref<1x50xi32, #tpu.memory_space<vmem>> -> memref<50xi32, #tpu.memory_space<vmem>>
        %dma_start3A_650 = arith.constant 0 : i32
        %dma_start3A_651 = arith.constant 0 : i32
        %dma_start3A_652 = tpu.memref_slice %arg3[%dma_start3A_650, %dma_start3A_651] : memref<100000x128xf32, #tpu.memory_space<hbm>> -> memref<100000x128xf32, #tpu.memory_space<hbm>>
        tpu.enqueue_indirect_dma source(%dma_start3A_652 : memref<100000x128xf32, #tpu.memory_space<hbm>>) target(%dma_start3A_646 : memref<50x128xf32, #tpu.memory_space<vmem>>) offsets(%dma_start3A_649 : memref<50xi32, #tpu.memory_space<vmem>>) semaphore(%arg18 : memref<!tpu.dma_semaphore, #tpu.memory_space<semaphore_mem>>)
        %mul3A_653 = arith.constant 2 : i32
        %mul3A_654 = arith.muli %sub3A_637, %mul3A_653 : i32
        %add3A_655 = arith.constant 1 : i32
        %add3A_656 = arith.addi %mul3A_654, %add3A_655 : i32
        %dma_start3A_657 = arith.constant 1 : i32
        %dma_start3A_658 = arith.constant 0 : i32
        %dma_start3A_659 = arith.constant 0 : i32
        %dma_start3A_660 = tpu.memref_slice %arg10[%dma_start3A_657, %dma_start3A_658, %dma_start3A_659] : memref<2x50x128xf32, #tpu.memory_space<vmem>> -> memref<1x50x128xf32, #tpu.memory_space<vmem>>
        %dma_start3A_661 = tpu.memref_squeeze %dma_start3A_660 : memref<1x50x128xf32, #tpu.memory_space<vmem>> -> memref<50x128xf32, #tpu.memory_space<vmem>>
        %dma_start3A_662 = arith.constant 0 : i32
        %dma_start3A_663 = tpu.memref_slice %arg5[%add3A_656, %dma_start3A_662] : memref<128x50xi32, #tpu.memory_space<vmem>> -> memref<1x50xi32, #tpu.memory_space<vmem>>
        %dma_start3A_664 = tpu.memref_squeeze %dma_start3A_663 : memref<1x50xi32, #tpu.memory_space<vmem>> -> memref<50xi32, #tpu.memory_space<vmem>>
        %dma_start3A_665 = arith.constant 0 : i32
        %dma_start3A_666 = arith.constant 0 : i32
        %dma_start3A_667 = tpu.memref_slice %arg3[%dma_start3A_665, %dma_start3A_666] : memref<100000x128xf32, #tpu.memory_space<hbm>> -> memref<100000x128xf32, #tpu.memory_space<hbm>>
        tpu.enqueue_indirect_dma source(%dma_start3A_667 : memref<100000x128xf32, #tpu.memory_space<hbm>>) target(%dma_start3A_661 : memref<50x128xf32, #tpu.memory_space<vmem>>) offsets(%dma_start3A_664 : memref<50xi32, #tpu.memory_space<vmem>>) semaphore(%arg18 : memref<!tpu.dma_semaphore, #tpu.memory_space<semaphore_mem>>)
      } else {
      }
      %mul3A_520 = arith.constant 8 : i32
      %mul3A_521 = arith.muli %scan3A_182, %mul3A_520 : i32
      %add3A_522 = arith.constant 6 : i32
      %add3A_523 = arith.addi %mul3A_521, %add3A_522 : i32
      %mul3A_524 = arith.constant 2 : i32
      %mul3A_525 = arith.muli %add3A_523, %mul3A_524 : i32
      %add3A_526 = arith.constant 0 : i32
      %add3A_527 = arith.addi %mul3A_525, %add3A_526 : i32
      %dma_wait3A_528 = arith.constant 0 : i32
      %dma_wait3A_529 = arith.constant 0 : i32
      %dma_wait3A_530 = arith.constant 0 : i32
      %dma_wait3A_531 = tpu.memref_slice %arg12[%dma_wait3A_528, %dma_wait3A_529, %dma_wait3A_530] : memref<2x50x128xf32, #tpu.memory_space<vmem>> -> memref<1x50x128xf32, #tpu.memory_space<vmem>>
      %dma_wait3A_532 = tpu.memref_squeeze %dma_wait3A_531 : memref<1x50x128xf32, #tpu.memory_space<vmem>> -> memref<50x128xf32, #tpu.memory_space<vmem>>
      %dma_wait3A_533 = arith.constant 0 : i32
      %dma_wait3A_534 = tpu.memref_slice %arg5[%add3A_527, %dma_wait3A_533] : memref<128x50xi32, #tpu.memory_space<vmem>> -> memref<1x50xi32, #tpu.memory_space<vmem>>
      %dma_wait3A_535 = tpu.memref_squeeze %dma_wait3A_534 : memref<1x50xi32, #tpu.memory_space<vmem>> -> memref<50xi32, #tpu.memory_space<vmem>>
      %dma_wait3A_536 = arith.constant 0 : i32
      %dma_wait3A_537 = arith.constant 0 : i32
      %dma_wait3A_538 = tpu.memref_slice %arg3[%dma_wait3A_536, %dma_wait3A_537] : memref<100000x128xf32, #tpu.memory_space<hbm>> -> memref<100000x128xf32, #tpu.memory_space<hbm>>
      tpu.wait_indirect_dma semaphore(%arg20 : memref<!tpu.dma_semaphore, #tpu.memory_space<semaphore_mem>>) src(%dma_wait3A_538 : memref<100000x128xf32, #tpu.memory_space<hbm>>) dst(%dma_wait3A_532 : memref<50x128xf32, #tpu.memory_space<vmem>>)
      %mul3A_539 = arith.constant 2 : i32
      %mul3A_540 = arith.muli %add3A_523, %mul3A_539 : i32
      %add3A_541 = arith.constant 1 : i32
      %add3A_542 = arith.addi %mul3A_540, %add3A_541 : i32
      %dma_wait3A_543 = arith.constant 1 : i32
      %dma_wait3A_544 = arith.constant 0 : i32
      %dma_wait3A_545 = arith.constant 0 : i32
      %dma_wait3A_546 = tpu.memref_slice %arg12[%dma_wait3A_543, %dma_wait3A_544, %dma_wait3A_545] : memref<2x50x128xf32, #tpu.memory_space<vmem>> -> memref<1x50x128xf32, #tpu.memory_space<vmem>>
      %dma_wait3A_547 = tpu.memref_squeeze %dma_wait3A_546 : memref<1x50x128xf32, #tpu.memory_space<vmem>> -> memref<50x128xf32, #tpu.memory_space<vmem>>
      %dma_wait3A_548 = arith.constant 0 : i32
      %dma_wait3A_549 = tpu.memref_slice %arg5[%add3A_542, %dma_wait3A_548] : memref<128x50xi32, #tpu.memory_space<vmem>> -> memref<1x50xi32, #tpu.memory_space<vmem>>
      %dma_wait3A_550 = tpu.memref_squeeze %dma_wait3A_549 : memref<1x50xi32, #tpu.memory_space<vmem>> -> memref<50xi32, #tpu.memory_space<vmem>>
      %dma_wait3A_551 = arith.constant 0 : i32
      %dma_wait3A_552 = arith.constant 0 : i32
      %dma_wait3A_553 = tpu.memref_slice %arg3[%dma_wait3A_551, %dma_wait3A_552] : memref<100000x128xf32, #tpu.memory_space<hbm>> -> memref<100000x128xf32, #tpu.memory_space<hbm>>
      tpu.wait_indirect_dma semaphore(%arg20 : memref<!tpu.dma_semaphore, #tpu.memory_space<semaphore_mem>>) src(%dma_wait3A_553 : memref<100000x128xf32, #tpu.memory_space<hbm>>) dst(%dma_wait3A_547 : memref<50x128xf32, #tpu.memory_space<vmem>>)
      %mul3A_554 = arith.constant 2 : i32
      %mul3A_555 = arith.muli %add3A_523, %mul3A_554 : i32
      %add3A_556 = arith.addi %mul3A_2, %mul3A_555 : i32
      %dma_start3A_557 = arith.constant 0 : i32
      %dma_start3A_558 = arith.constant 0 : i32
      %dma_start3A_559 = tpu.memref_slice %arg4[%add3A_556, %dma_start3A_557, %dma_start3A_558] : memref<4096x50x128xf32, #tpu.memory_space<hbm>> -> memref<2x50x128xf32, #tpu.memory_space<hbm>>
      %dma_start3A_560 = arith.constant 0 : i32
      %dma_start3A_561 = arith.constant 0 : i32
      %dma_start3A_562 = tpu.memref_slice %arg4[%add3A_556, %dma_start3A_560, %dma_start3A_561] : memref<4096x50x128xf32, #tpu.memory_space<hbm>> -> memref<2x50x128xf32, #tpu.memory_space<hbm>>
      tpu.enqueue_dma source(%arg12 : memref<2x50x128xf32, #tpu.memory_space<vmem>>) target(%dma_start3A_562 : memref<2x50x128xf32, #tpu.memory_space<hbm>>) target_semaphore(%arg28 : memref<!tpu.dma_semaphore, #tpu.memory_space<semaphore_mem>>)
      %ge3A_563 = arith.constant 1 : i32
      %ge3A_564 = arith.cmpi sge, %add3A_523, %ge3A_563 : i32
      %convert_element_type3A_565 = arith.extui %ge3A_564 : i1 to i32
      %cond3A_566 = arith.constant 0 : i32
      %cond3A_567 = arith.cmpi ne, %convert_element_type3A_565, %cond3A_566 : i32
      scf.if %cond3A_567 {
        %sub3A_634 = arith.constant 1 : i32
        %sub3A_635 = arith.subi %add3A_523, %sub3A_634 : i32
        %mul3A_636 = arith.constant 2 : i32
        %mul3A_637 = arith.muli %sub3A_635, %mul3A_636 : i32
        %add3A_638 = arith.addi %mul3A_2, %mul3A_637 : i32
        %dma_wait3A_639 = arith.constant 0 : i32
        %dma_wait3A_640 = arith.constant 0 : i32
        %dma_wait3A_641 = tpu.memref_slice %arg4[%add3A_638, %dma_wait3A_639, %dma_wait3A_640] : memref<4096x50x128xf32, #tpu.memory_space<hbm>> -> memref<2x50x128xf32, #tpu.memory_space<hbm>>
        %dma_wait3A_642 = arith.constant 0 : i32
        %dma_wait3A_643 = arith.constant 0 : i32
        %dma_wait3A_644 = tpu.memref_slice %arg4[%add3A_638, %dma_wait3A_642, %dma_wait3A_643] : memref<4096x50x128xf32, #tpu.memory_space<hbm>> -> memref<2x50x128xf32, #tpu.memory_space<hbm>>
        tpu.wait_dma2 semaphore(%arg27 : memref<!tpu.dma_semaphore, #tpu.memory_space<semaphore_mem>>) src(%arg11 : memref<2x50x128xf32, #tpu.memory_space<vmem>>) dst(%dma_wait3A_644 : memref<2x50x128xf32, #tpu.memory_space<hbm>>)
      } else {
      }
      %add3A_568 = arith.constant 8 : i32
      %add3A_569 = arith.addi %add3A_523, %add3A_568 : i32
      %sub3A_570 = arith.constant 1 : i32
      %sub3A_571 = arith.subi %add3A_569, %sub3A_570 : i32
      %lt3A_572 = arith.constant 64 : i32
      %lt3A_573 = arith.cmpi slt, %sub3A_571, %lt3A_572 : i32
      %convert_element_type3A_574 = arith.extui %lt3A_573 : i1 to i32
      %cond3A_575 = arith.constant 0 : i32
      %cond3A_576 = arith.cmpi ne, %convert_element_type3A_574, %cond3A_575 : i32
      scf.if %cond3A_576 {
        %add3A_634 = arith.constant 8 : i32
        %add3A_635 = arith.addi %add3A_523, %add3A_634 : i32
        %sub3A_636 = arith.constant 1 : i32
        %sub3A_637 = arith.subi %add3A_635, %sub3A_636 : i32
        %mul3A_638 = arith.constant 2 : i32
        %mul3A_639 = arith.muli %sub3A_637, %mul3A_638 : i32
        %add3A_640 = arith.constant 0 : i32
        %add3A_641 = arith.addi %mul3A_639, %add3A_640 : i32
        %dma_start3A_642 = arith.constant 0 : i32
        %dma_start3A_643 = arith.constant 0 : i32
        %dma_start3A_644 = arith.constant 0 : i32
        %dma_start3A_645 = tpu.memref_slice %arg11[%dma_start3A_642, %dma_start3A_643, %dma_start3A_644] : memref<2x50x128xf32, #tpu.memory_space<vmem>> -> memref<1x50x128xf32, #tpu.memory_space<vmem>>
        %dma_start3A_646 = tpu.memref_squeeze %dma_start3A_645 : memref<1x50x128xf32, #tpu.memory_space<vmem>> -> memref<50x128xf32, #tpu.memory_space<vmem>>
        %dma_start3A_647 = arith.constant 0 : i32
        %dma_start3A_648 = tpu.memref_slice %arg5[%add3A_641, %dma_start3A_647] : memref<128x50xi32, #tpu.memory_space<vmem>> -> memref<1x50xi32, #tpu.memory_space<vmem>>
        %dma_start3A_649 = tpu.memref_squeeze %dma_start3A_648 : memref<1x50xi32, #tpu.memory_space<vmem>> -> memref<50xi32, #tpu.memory_space<vmem>>
        %dma_start3A_650 = arith.constant 0 : i32
        %dma_start3A_651 = arith.constant 0 : i32
        %dma_start3A_652 = tpu.memref_slice %arg3[%dma_start3A_650, %dma_start3A_651] : memref<100000x128xf32, #tpu.memory_space<hbm>> -> memref<100000x128xf32, #tpu.memory_space<hbm>>
        tpu.enqueue_indirect_dma source(%dma_start3A_652 : memref<100000x128xf32, #tpu.memory_space<hbm>>) target(%dma_start3A_646 : memref<50x128xf32, #tpu.memory_space<vmem>>) offsets(%dma_start3A_649 : memref<50xi32, #tpu.memory_space<vmem>>) semaphore(%arg19 : memref<!tpu.dma_semaphore, #tpu.memory_space<semaphore_mem>>)
        %mul3A_653 = arith.constant 2 : i32
        %mul3A_654 = arith.muli %sub3A_637, %mul3A_653 : i32
        %add3A_655 = arith.constant 1 : i32
        %add3A_656 = arith.addi %mul3A_654, %add3A_655 : i32
        %dma_start3A_657 = arith.constant 1 : i32
        %dma_start3A_658 = arith.constant 0 : i32
        %dma_start3A_659 = arith.constant 0 : i32
        %dma_start3A_660 = tpu.memref_slice %arg11[%dma_start3A_657, %dma_start3A_658, %dma_start3A_659] : memref<2x50x128xf32, #tpu.memory_space<vmem>> -> memref<1x50x128xf32, #tpu.memory_space<vmem>>
        %dma_start3A_661 = tpu.memref_squeeze %dma_start3A_660 : memref<1x50x128xf32, #tpu.memory_space<vmem>> -> memref<50x128xf32, #tpu.memory_space<vmem>>
        %dma_start3A_662 = arith.constant 0 : i32
        %dma_start3A_663 = tpu.memref_slice %arg5[%add3A_656, %dma_start3A_662] : memref<128x50xi32, #tpu.memory_space<vmem>> -> memref<1x50xi32, #tpu.memory_space<vmem>>
        %dma_start3A_664 = tpu.memref_squeeze %dma_start3A_663 : memref<1x50xi32, #tpu.memory_space<vmem>> -> memref<50xi32, #tpu.memory_space<vmem>>
        %dma_start3A_665 = arith.constant 0 : i32
        %dma_start3A_666 = arith.constant 0 : i32
        %dma_start3A_667 = tpu.memref_slice %arg3[%dma_start3A_665, %dma_start3A_666] : memref<100000x128xf32, #tpu.memory_space<hbm>> -> memref<100000x128xf32, #tpu.memory_space<hbm>>
        tpu.enqueue_indirect_dma source(%dma_start3A_667 : memref<100000x128xf32, #tpu.memory_space<hbm>>) target(%dma_start3A_661 : memref<50x128xf32, #tpu.memory_space<vmem>>) offsets(%dma_start3A_664 : memref<50xi32, #tpu.memory_space<vmem>>) semaphore(%arg19 : memref<!tpu.dma_semaphore, #tpu.memory_space<semaphore_mem>>)
      } else {
      }
      %mul3A_577 = arith.constant 8 : i32
      %mul3A_578 = arith.muli %scan3A_182, %mul3A_577 : i32
      %add3A_579 = arith.constant 7 : i32
      %add3A_580 = arith.addi %mul3A_578, %add3A_579 : i32
      %mul3A_581 = arith.constant 2 : i32
      %mul3A_582 = arith.muli %add3A_580, %mul3A_581 : i32
      %add3A_583 = arith.constant 0 : i32
      %add3A_584 = arith.addi %mul3A_582, %add3A_583 : i32
      %dma_wait3A_585 = arith.constant 0 : i32
      %dma_wait3A_586 = arith.constant 0 : i32
      %dma_wait3A_587 = arith.constant 0 : i32
      %dma_wait3A_588 = tpu.memref_slice %arg13[%dma_wait3A_585, %dma_wait3A_586, %dma_wait3A_587] : memref<2x50x128xf32, #tpu.memory_space<vmem>> -> memref<1x50x128xf32, #tpu.memory_space<vmem>>
      %dma_wait3A_589 = tpu.memref_squeeze %dma_wait3A_588 : memref<1x50x128xf32, #tpu.memory_space<vmem>> -> memref<50x128xf32, #tpu.memory_space<vmem>>
      %dma_wait3A_590 = arith.constant 0 : i32
      %dma_wait3A_591 = tpu.memref_slice %arg5[%add3A_584, %dma_wait3A_590] : memref<128x50xi32, #tpu.memory_space<vmem>> -> memref<1x50xi32, #tpu.memory_space<vmem>>
      %dma_wait3A_592 = tpu.memref_squeeze %dma_wait3A_591 : memref<1x50xi32, #tpu.memory_space<vmem>> -> memref<50xi32, #tpu.memory_space<vmem>>
      %dma_wait3A_593 = arith.constant 0 : i32
      %dma_wait3A_594 = arith.constant 0 : i32
      %dma_wait3A_595 = tpu.memref_slice %arg3[%dma_wait3A_593, %dma_wait3A_594] : memref<100000x128xf32, #tpu.memory_space<hbm>> -> memref<100000x128xf32, #tpu.memory_space<hbm>>
      tpu.wait_indirect_dma semaphore(%arg21 : memref<!tpu.dma_semaphore, #tpu.memory_space<semaphore_mem>>) src(%dma_wait3A_595 : memref<100000x128xf32, #tpu.memory_space<hbm>>) dst(%dma_wait3A_589 : memref<50x128xf32, #tpu.memory_space<vmem>>)
      %mul3A_596 = arith.constant 2 : i32
      %mul3A_597 = arith.muli %add3A_580, %mul3A_596 : i32
      %add3A_598 = arith.constant 1 : i32
      %add3A_599 = arith.addi %mul3A_597, %add3A_598 : i32
      %dma_wait3A_600 = arith.constant 1 : i32
      %dma_wait3A_601 = arith.constant 0 : i32
      %dma_wait3A_602 = arith.constant 0 : i32
      %dma_wait3A_603 = tpu.memref_slice %arg13[%dma_wait3A_600, %dma_wait3A_601, %dma_wait3A_602] : memref<2x50x128xf32, #tpu.memory_space<vmem>> -> memref<1x50x128xf32, #tpu.memory_space<vmem>>
      %dma_wait3A_604 = tpu.memref_squeeze %dma_wait3A_603 : memref<1x50x128xf32, #tpu.memory_space<vmem>> -> memref<50x128xf32, #tpu.memory_space<vmem>>
      %dma_wait3A_605 = arith.constant 0 : i32
      %dma_wait3A_606 = tpu.memref_slice %arg5[%add3A_599, %dma_wait3A_605] : memref<128x50xi32, #tpu.memory_space<vmem>> -> memref<1x50xi32, #tpu.memory_space<vmem>>
      %dma_wait3A_607 = tpu.memref_squeeze %dma_wait3A_606 : memref<1x50xi32, #tpu.memory_space<vmem>> -> memref<50xi32, #tpu.memory_space<vmem>>
      %dma_wait3A_608 = arith.constant 0 : i32
      %dma_wait3A_609 = arith.constant 0 : i32
      %dma_wait3A_610 = tpu.memref_slice %arg3[%dma_wait3A_608, %dma_wait3A_609] : memref<100000x128xf32, #tpu.memory_space<hbm>> -> memref<100000x128xf32, #tpu.memory_space<hbm>>
      tpu.wait_indirect_dma semaphore(%arg21 : memref<!tpu.dma_semaphore, #tpu.memory_space<semaphore_mem>>) src(%dma_wait3A_610 : memref<100000x128xf32, #tpu.memory_space<hbm>>) dst(%dma_wait3A_604 : memref<50x128xf32, #tpu.memory_space<vmem>>)
      %mul3A_611 = arith.constant 2 : i32
      %mul3A_612 = arith.muli %add3A_580, %mul3A_611 : i32
      %add3A_613 = arith.addi %mul3A_2, %mul3A_612 : i32
      %dma_start3A_614 = arith.constant 0 : i32
      %dma_start3A_615 = arith.constant 0 : i32
      %dma_start3A_616 = tpu.memref_slice %arg4[%add3A_613, %dma_start3A_614, %dma_start3A_615] : memref<4096x50x128xf32, #tpu.memory_space<hbm>> -> memref<2x50x128xf32, #tpu.memory_space<hbm>>
      %dma_start3A_617 = arith.constant 0 : i32
      %dma_start3A_618 = arith.constant 0 : i32
      %dma_start3A_619 = tpu.memref_slice %arg4[%add3A_613, %dma_start3A_617, %dma_start3A_618] : memref<4096x50x128xf32, #tpu.memory_space<hbm>> -> memref<2x50x128xf32, #tpu.memory_space<hbm>>
      tpu.enqueue_dma source(%arg13 : memref<2x50x128xf32, #tpu.memory_space<vmem>>) target(%dma_start3A_619 : memref<2x50x128xf32, #tpu.memory_space<hbm>>) target_semaphore(%arg29 : memref<!tpu.dma_semaphore, #tpu.memory_space<semaphore_mem>>)
      %ge3A_620 = arith.constant 1 : i32
      %ge3A_621 = arith.cmpi sge, %add3A_580, %ge3A_620 : i32
      %convert_element_type3A_622 = arith.extui %ge3A_621 : i1 to i32
      %cond3A_623 = arith.constant 0 : i32
      %cond3A_624 = arith.cmpi ne, %convert_element_type3A_622, %cond3A_623 : i32
      scf.if %cond3A_624 {
        %sub3A_634 = arith.constant 1 : i32
        %sub3A_635 = arith.subi %add3A_580, %sub3A_634 : i32
        %mul3A_636 = arith.constant 2 : i32
        %mul3A_637 = arith.muli %sub3A_635, %mul3A_636 : i32
        %add3A_638 = arith.addi %mul3A_2, %mul3A_637 : i32
        %dma_wait3A_639 = arith.constant 0 : i32
        %dma_wait3A_640 = arith.constant 0 : i32
        %dma_wait3A_641 = tpu.memref_slice %arg4[%add3A_638, %dma_wait3A_639, %dma_wait3A_640] : memref<4096x50x128xf32, #tpu.memory_space<hbm>> -> memref<2x50x128xf32, #tpu.memory_space<hbm>>
        %dma_wait3A_642 = arith.constant 0 : i32
        %dma_wait3A_643 = arith.constant 0 : i32
        %dma_wait3A_644 = tpu.memref_slice %arg4[%add3A_638, %dma_wait3A_642, %dma_wait3A_643] : memref<4096x50x128xf32, #tpu.memory_space<hbm>> -> memref<2x50x128xf32, #tpu.memory_space<hbm>>
        tpu.wait_dma2 semaphore(%arg28 : memref<!tpu.dma_semaphore, #tpu.memory_space<semaphore_mem>>) src(%arg12 : memref<2x50x128xf32, #tpu.memory_space<vmem>>) dst(%dma_wait3A_644 : memref<2x50x128xf32, #tpu.memory_space<hbm>>)
      } else {
      }
      %add3A_625 = arith.constant 8 : i32
      %add3A_626 = arith.addi %add3A_580, %add3A_625 : i32
      %sub3A_627 = arith.constant 1 : i32
      %sub3A_628 = arith.subi %add3A_626, %sub3A_627 : i32
      %lt3A_629 = arith.constant 64 : i32
      %lt3A_630 = arith.cmpi slt, %sub3A_628, %lt3A_629 : i32
      %convert_element_type3A_631 = arith.extui %lt3A_630 : i1 to i32
      %cond3A_632 = arith.constant 0 : i32
      %cond3A_633 = arith.cmpi ne, %convert_element_type3A_631, %cond3A_632 : i32
      scf.if %cond3A_633 {
        %add3A_634 = arith.constant 8 : i32
        %add3A_635 = arith.addi %add3A_580, %add3A_634 : i32
        %sub3A_636 = arith.constant 1 : i32
        %sub3A_637 = arith.subi %add3A_635, %sub3A_636 : i32
        %mul3A_638 = arith.constant 2 : i32
        %mul3A_639 = arith.muli %sub3A_637, %mul3A_638 : i32
        %add3A_640 = arith.constant 0 : i32
        %add3A_641 = arith.addi %mul3A_639, %add3A_640 : i32
        %dma_start3A_642 = arith.constant 0 : i32
        %dma_start3A_643 = arith.constant 0 : i32
        %dma_start3A_644 = arith.constant 0 : i32
        %dma_start3A_645 = tpu.memref_slice %arg12[%dma_start3A_642, %dma_start3A_643, %dma_start3A_644] : memref<2x50x128xf32, #tpu.memory_space<vmem>> -> memref<1x50x128xf32, #tpu.memory_space<vmem>>
        %dma_start3A_646 = tpu.memref_squeeze %dma_start3A_645 : memref<1x50x128xf32, #tpu.memory_space<vmem>> -> memref<50x128xf32, #tpu.memory_space<vmem>>
        %dma_start3A_647 = arith.constant 0 : i32
        %dma_start3A_648 = tpu.memref_slice %arg5[%add3A_641, %dma_start3A_647] : memref<128x50xi32, #tpu.memory_space<vmem>> -> memref<1x50xi32, #tpu.memory_space<vmem>>
        %dma_start3A_649 = tpu.memref_squeeze %dma_start3A_648 : memref<1x50xi32, #tpu.memory_space<vmem>> -> memref<50xi32, #tpu.memory_space<vmem>>
        %dma_start3A_650 = arith.constant 0 : i32
        %dma_start3A_651 = arith.constant 0 : i32
        %dma_start3A_652 = tpu.memref_slice %arg3[%dma_start3A_650, %dma_start3A_651] : memref<100000x128xf32, #tpu.memory_space<hbm>> -> memref<100000x128xf32, #tpu.memory_space<hbm>>
        tpu.enqueue_indirect_dma source(%dma_start3A_652 : memref<100000x128xf32, #tpu.memory_space<hbm>>) target(%dma_start3A_646 : memref<50x128xf32, #tpu.memory_space<vmem>>) offsets(%dma_start3A_649 : memref<50xi32, #tpu.memory_space<vmem>>) semaphore(%arg20 : memref<!tpu.dma_semaphore, #tpu.memory_space<semaphore_mem>>)
        %mul3A_653 = arith.constant 2 : i32
        %mul3A_654 = arith.muli %sub3A_637, %mul3A_653 : i32
        %add3A_655 = arith.constant 1 : i32
        %add3A_656 = arith.addi %mul3A_654, %add3A_655 : i32
        %dma_start3A_657 = arith.constant 1 : i32
        %dma_start3A_658 = arith.constant 0 : i32
        %dma_start3A_659 = arith.constant 0 : i32
        %dma_start3A_660 = tpu.memref_slice %arg12[%dma_start3A_657, %dma_start3A_658, %dma_start3A_659] : memref<2x50x128xf32, #tpu.memory_space<vmem>> -> memref<1x50x128xf32, #tpu.memory_space<vmem>>
        %dma_start3A_661 = tpu.memref_squeeze %dma_start3A_660 : memref<1x50x128xf32, #tpu.memory_space<vmem>> -> memref<50x128xf32, #tpu.memory_space<vmem>>
        %dma_start3A_662 = arith.constant 0 : i32
        %dma_start3A_663 = tpu.memref_slice %arg5[%add3A_656, %dma_start3A_662] : memref<128x50xi32, #tpu.memory_space<vmem>> -> memref<1x50xi32, #tpu.memory_space<vmem>>
        %dma_start3A_664 = tpu.memref_squeeze %dma_start3A_663 : memref<1x50xi32, #tpu.memory_space<vmem>> -> memref<50xi32, #tpu.memory_space<vmem>>
        %dma_start3A_665 = arith.constant 0 : i32
        %dma_start3A_666 = arith.constant 0 : i32
        %dma_start3A_667 = tpu.memref_slice %arg3[%dma_start3A_665, %dma_start3A_666] : memref<100000x128xf32, #tpu.memory_space<hbm>> -> memref<100000x128xf32, #tpu.memory_space<hbm>>
        tpu.enqueue_indirect_dma source(%dma_start3A_667 : memref<100000x128xf32, #tpu.memory_space<hbm>>) target(%dma_start3A_661 : memref<50x128xf32, #tpu.memory_space<vmem>>) offsets(%dma_start3A_664 : memref<50xi32, #tpu.memory_space<vmem>>) semaphore(%arg20 : memref<!tpu.dma_semaphore, #tpu.memory_space<semaphore_mem>>)
      } else {
      }
    }
    %scan3A_174 = arith.constant 8 : i32
    %add3A_175 = arith.constant 126 : i32
    %add3A_176 = arith.addi %mul3A_2, %add3A_175 : i32
    %dma_wait3A = arith.constant 0 : i32
    %dma_wait3A_177 = arith.constant 0 : i32
    %dma_wait3A_178 = tpu.memref_slice %arg4[%add3A_176, %dma_wait3A, %dma_wait3A_177] : memref<4096x50x128xf32, #tpu.memory_space<hbm>> -> memref<2x50x128xf32, #tpu.memory_space<hbm>>
    %dma_wait3A_179 = arith.constant 0 : i32
    %dma_wait3A_180 = arith.constant 0 : i32
    %dma_wait3A_181 = tpu.memref_slice %arg4[%add3A_176, %dma_wait3A_179, %dma_wait3A_180] : memref<4096x50x128xf32, #tpu.memory_space<hbm>> -> memref<2x50x128xf32, #tpu.memory_space<hbm>>
    tpu.wait_dma2 semaphore(%arg29 : memref<!tpu.dma_semaphore, #tpu.memory_space<semaphore_mem>>) src(%arg13 : memref<2x50x128xf32, #tpu.memory_space<vmem>>) dst(%dma_wait3A_181 : memref<2x50x128xf32, #tpu.memory_space<hbm>>)
    return
  }
}

</mosaic_0001>

<sc_bundles>
// kernel: kernel.3.cloned.1.call-start
scs
__scs_entry_jumppad:
0x0: {  	(pc) =	sbr.rel $0x88, $3  }
0x1: {  	(tag) =	ssettag $0x0;
	lr =	simm.s32 $0x1  }
0x2: {  	[smem:$0x3F9F] =	sst lr;
	_ =	strace $0xD0000000  }
0x3: {  	_ = 	snop  }
0x4: {  	_ = 	snop  }
0x5: {  	_ = 	snop  }
0x6: {  	_ = 	snop  }
0x7: {  	_ = 	snop  }
__scs_overlays_trampoline_lowered:
0x8: {  	[smem:$0x3FAE] =	sst s0  }
0x9: {  	[smem:$0x3FAF] =	sst s1  }
0xa: {  	[smem:$0x3FB0] =	sst s2  }
0xb: {  	[smem:$0x3FB1] =	sst s3  }
0xc: {  	[smem:$0x3FB2] =	sst s4  }
0xd: {  	[smem:$0x3FB3] =	sst s5  }
0xe: {  	[smem:$0x3FB4] =	sst s6  }
0xf: {  	[smem:$0x3FB5] =	sst s7  }
0x10: {  	[smem:$0x3FB6] =	sst s8  }
0x11: {  	[smem:$0x3FB7] =	sst s9;
	s0 =	simm.s32 @!p0 $0x0  }
0x12: {  	s1 =	sld [smem:$0x3F9D];
	s0 =	simm.s32 @p0 $0x1  }
0x13: {  	[smem:$0x3FB8] =	sst s0;
	s0 =	simm.s32 @!p1 $0x0  }
0x14: {  	s2 =	sld [smem:$0x3F9C];
	s0 =	simm.s32 @p1 $0x1  }
0x15: {  	[smem:$0x3FB9] =	sst s0;
	s0 =	simm.s32 @!p2 $0x0  }
0x16: {  	s3 =	sld [smem:$0x3FDB];
	s0 =	simm.s32 @p2 $0x1  }
0x17: {  	s4 =	simm.s32 $0x1BF5;
	[smem:$0x3FBB] =	sst s0  }
0x18: {  	s0 =	sld [smem:$0x3F9E];
	_ =	swait.ge [sflag:s4], $0x0  }
0x19: {  	s7 =	sld [smem:$0x3F9F]  }
0x1a: {  	s8 =	sadd.s32 $0xFFFFE003, lr  }
0x1b: {  	s9 =	sadd.s32 $0xFFFFFEF7, lr;
	s5 =	simm.s32 $0xFFFFFFFF;
	p2 =	slt.u32 s8, $0xFFFFF086  }
0x1c: {  	p1 =	slt.u32 s9, $0xF7A;
	s5 =	simm.s32 @!p2 $0x0  }
0x1d: {  	s5 =	simm.s32 @p1 $0x1;
	p0 =	seq.s32 s7, s2  }
0x1e: {  	s7 =	smul.u32 @!p0 $0xF7A, s2;
	p2 =	seq.s32 @!p0 s5, $0x0  }
0x1f: {  	s9 =	smul.u32 $0xF7A, s1;
	s8 =	simm.s32 @!p0 $0x1BF5;
	p2 =	por !p2, p0  }
0x20: {  	[sflag:s8] =	ssyncset.s32 @!p0 $0xFFFFF086;
	s6 =	sadd.s32 @!p0 s3, s7;
	s7 =	simm.s32 @!p0 $0x108  }
0x21: {  	s3 =	sadd.s32 s3, s9;
	s6 =	sadd.s32 @!p0 $0x88, s6;
	s7 =	simm.s32 @p2 $0x1082  }
0x22: {  	[simem:s7], [sflag:s8] =	dma.local @!p0 [hbm:s6], $0xF7A  }
0x23: {  	s9 =	sor.u32 $0xD0000000, s2;
	s6 =	simm.s32 $0x108;
	_ =	swait.ge @!p0 [sflag:s8], $0x0  }
0x24: {  	s3 =	sadd.s32 $0x88, s3;
	s6 =	simm.s32 @!p1 $0x1082;
	[sflag:s4] =	ssyncset.s32 $0xFFFFF086  }
0x25: {  	[simem:s6], [sflag:s4] =	dma.local [hbm:s3], $0xF7A  }
0x26: {  	[smem:$0x3F9F] =	sst s1;
	(tag) =	ssettag s2;
	_ =	strace s9  }
0x27: {  	s1 =	sld [smem:$0x3FAF]  }
0x28: {  	s2 =	sld [smem:$0x3FB0]  }
0x29: {  	s4 =	sld [smem:$0x3FB2]  }
0x2a: {  	p0 =	seq.s32 s5, $0x0;
	s5 =	sld [smem:$0x3FB3]  }
0x2b: {  	s6 =	sld [smem:$0x3FB4]  }
0x2c: {  	s7 =	sld [smem:$0x3FB5]  }
0x2d: {  	s3 =	simm.s32 $0x108;
	s8 =	sld [smem:$0x3FB6]  }
0x2e: {  	s3 =	simm.s32 @!p0 $0x1082;
	s9 =	sld [smem:$0x3FB7]  }
0x2f: {  	lr =	sadd.s32 s0, s3;
	s0 =	sld [smem:$0x3FAE]  }
0x30: {  	s3 =	sld [smem:$0x3FB1]  }
0x31: {  	[smem:$0x3FBA] =	sst s10  }
0x32: {  	s10 =	sld [smem:$0x3FB8];
	_ =	sdelay $0x3  }
0x33: {  	p0 =	seq.s32 s10, $0x1;
	s10 =	sld [smem:$0x3FBA];
	_ =	sdelay $0x3  }
0x34: {  	[smem:$0x3FBA] =	sst s10  }
0x35: {  	s10 =	sld [smem:$0x3FB9];
	_ =	sdelay $0x3  }
0x36: {  	p1 =	seq.s32 s10, $0x1;
	s10 =	sld [smem:$0x3FBA];
	_ =	sdelay $0x3  }
0x37: {  	[smem:$0x3FBA] =	sst s10  }
0x38: {  	s10 =	sld [smem:$0x3FBB]  }
0x39: {  	_ = 	snop;
	(pc) =	sbr.ind lr, $3  }
0x3a: {  	_ = 	snop  }
0x3b: {  	_ = 	snop  }
0x3c: {  	p2 =	seq.s32 s10, $0x1;
	s10 =	sld [smem:$0x3FBA]  }
0x3d: {  	_ =	shalt  }
0x3e: {  	_ =	shalt  }
0x3f: {  	_ =	shalt  }
0x40: {  	_ =	shalt  }
0x41: {  	_ =	shalt  }
0x42: {  	_ =	shalt  }
0x43: {  	_ =	shalt  }
0x44: {  	_ =	shalt  }
0x45: {  	_ =	shalt  }
0x46: {  	_ =	shalt  }
0x47: {  	_ =	shalt  }
0x48: {  	_ =	shalt  }
0x49: {  	_ =	shalt  }
0x4a: {  	_ =	shalt  }
0x4b: {  	_ =	shalt  }
0x4c: {  	_ =	shalt  }
0x4d: {  	_ =	shalt  }
0x4e: {  	_ =	shalt  }
0x4f: {  	_ =	shalt  }
0x50: {  	_ =	shalt  }
0x51: {  	_ =	shalt  }
0x52: {  	_ =	shalt  }
0x53: {  	_ =	shalt  }
0x54: {  	_ =	shalt  }
0x55: {  	_ =	shalt  }
0x56: {  	_ =	shalt  }
0x57: {  	_ =	shalt  }
0x58: {  	_ =	shalt  }
0x59: {  	_ =	shalt  }
0x5a: {  	_ =	shalt  }
0x5b: {  	_ =	shalt  }
0x5c: {  	_ =	shalt  }
0x5d: {  	_ =	shalt  }
0x5e: {  	_ =	shalt  }
0x5f: {  	_ =	shalt  }
0x60: {  	_ =	shalt  }
0x61: {  	_ =	shalt  }
0x62: {  	_ =	shalt  }
0x63: {  	_ =	shalt  }
0x64: {  	_ =	shalt  }
0x65: {  	_ =	shalt  }
0x66: {  	_ =	shalt  }
0x67: {  	_ =	shalt  }
0x68: {  	_ =	shalt  }
0x69: {  	_ =	shalt  }
0x6a: {  	_ =	shalt  }
0x6b: {  	_ =	shalt  }
0x6c: {  	_ =	shalt  }
0x6d: {  	_ =	shalt  }
0x6e: {  	_ =	shalt  }
0x6f: {  	_ =	shalt  }
0x70: {  	_ =	shalt  }
0x71: {  	_ =	shalt  }
0x72: {  	_ =	shalt  }
0x73: {  	_ =	shalt  }
0x74: {  	_ =	shalt  }
0x75: {  	_ =	shalt  }
0x76: {  	_ =	shalt  }
0x77: {  	_ =	shalt  }
0x78: {  	_ =	shalt  }
0x79: {  	_ =	shalt  }
0x7a: {  	_ =	shalt  }
0x7b: {  	_ =	shalt  }
0x7c: {  	_ =	shalt  }
0x7d: {  	_ =	shalt  }
0x7e: {  	_ =	shalt  }
0x7f: {  	_ =	shalt  }
0x80: {  	_ =	shalt  }
0x81: {  	_ =	shalt  }
0x82: {  	_ =	shalt  }
0x83: {  	_ =	shalt  }
0x84: {  	_ =	shalt  }
0x85: {  	_ =	shalt  }
0x86: {  	_ =	shalt  }
0x87: {  	_ =	shalt  }
.Lfunc_end0:
.L_simem_size_0:
called_computation_lowered:
.L_overlay_start_0:
0x88: {  	s2 =	sld [smem:$0x3FD9]  }
0x89: {  	s3 =	sld [smem:$0x3FFE];
	_ =	sdelay $0x1  }
0x8a: {  	s1 =	srdreg.scid  }
0x8b: {  	s0 =	sand.u32 $0x1, s1  }
0x8c: {  	s17 =	sshll.u32 s0, $0xA;
	s2 =	sadd.s32 s3, s2  }
0x8d: {  	s2 =	sadd.s32 s2, s17  }
0x8e: {  	[smem:$0x3FC6] =	sst s2  }
0x8f: {  	_ = 	snop  }
0x90: {  	s2 =	sld [smem:$0x3FC8]  }
0x91: {  	s18 =	sld [smem:$0x3FD0];
	(tm) =	ssettm $0x1  }
0x92: {  	s4 =	sld [smem:$0x3FFB];
	_ =	sdelay $0x3  }
0x93: {  	_ =	strace s4  }
0x94: {  	s4 =	sld [smem:$0x3FFC];
	_ =	sdelay $0x3  }
0x95: {  	_ =	strace s4  }
0x96: {  	s4 =	sld [smem:$0x3FFD];
	_ =	sdelay $0x3  }
0x97: {  	_ =	strace s4  }
0x98: {  	_ =	strace $0x8FFFFFFF  }
0x99: {  	s19 =	sld [smem:$0x3FDB];
	_ =	sdelay $0x1  }
0x9a: {  	s5 =	simm.s32 $_scs_section_size  }
0x9b: {  	s6 =	simm.s32 $_size__tile_overlayer_lowered;
	s7 =	simm.s32 $_tile_overlayer_lowered  }
0x9c: {  	s22 =	simm.s32 $0x1BFF;
	s21 =	sshll.u32 s7, $0x1;
	s4 =	sadd.s32 s5, s19  }
0x9d: {  	s8 =	simm.s32 $0x0;
	s20 =	sshll.u32 s6, $0x1;
	s6 =	sadd.s32 s21, s4  }
0x9e: {  	[timem:s8], [sflag:s22] =	dma.local [hbm:s6], s20  }
0x9f: {  	_ =	swait.ge [sflag:s22], s20  }
0xa0: {  	s5 =	ssub.s32 $0x0, s20;
	[sflag:s22] =	ssyncset.done $0x0  }
0xa1: {  	[sflag:s22] =	ssyncadd.s32 s5;
	_ =	sdelay $0x1  }
0xa2: {  	s23 =	simm.s32 $0x1B8B  }
0xa3: {  	_ =	swait.ge [sflag:s23], $0x1  }
0xa4: {  	[sflag:s23] =	ssyncset.done $0x0  }
0xa5: {  	s25 =	simm.s32 $0x1B8E;
	s24 =	sld [smem:$0x3FFE];
	[sflag:s23] =	ssyncadd.s32 $0xFFFFFFFF  }
0xa6: {  	s26 =	simm.s32 $execute0_lowered;
	[smem:$0x3FD2] =	sst s25  }
0xa7: {  	s6 =	sshll.u32 s26, $0x1;
	_ =	strace $0x80000046;
	[dreg:$0x1] =	wrdreg $0xFFFFFFFF  }
0xa8: {  	s28 =	simm.s32 $_size_execute0_lowered;
	s4 =	sadd.s32 s4, s6;
	[dreg:$0x0] =	wrdreg $0x0  }
0xa9: {  	s6 =	sshll.u32 s28, $0x1;
	[dreg:$0x2] =	wrdreg s4  }
0xaa: {  	[dreg:$0x3] =	wrdreg s6  }
0xab: {  	[dreg:$0x4] =	wrdreg $0xC0  }
0xac: {  	_ =	task [dreg:s8], $0x5FFFF  }
0xad: {  	[dreg:$0x1] =	wrdreg $0xFFFFFFFF  }
0xae: {  	[dreg:$0x0] =	wrdreg $0x60  }
0xaf: {  	[dreg:$0x2] =	wrdreg s18  }
0xb0: {  	[dreg:$0x3] =	wrdreg s2  }
0xb1: {  	[dreg:$0x4] =	wrdreg s24  }
0xb2: {  	[dreg:$0x5] =	wrdreg $0x9  }
0xb3: {  	_ =	task.clear_ibuf [dreg:s8], $0x6FFFF;
	_ =	strace $0x90000046  }
0xb4: {  	s29 =	simm.s32 $0x9;
	_ =	strace $0x80000048  }
0xb5: {  	_ =	swait.ge [sflag:s29], $0x1  }
0xb6: {  	[sflag:s29] =	ssyncadd.s32 $0xFFFFFFFF  }
0xb7: {  	_ =	strace $0x90000048  }
0xb8: {  	_ =	sfence  }
0xb9: {  	s30 =	sld [smem:$0x0];
	_ =	sdelay $0x2  }
0xba: {  	s31 =	sshll.u32 s1, $0xD;
	s1 =	sshrl.u32 s1, $0x2  }
0xbb: {  	s3 =	sand.u32 $0x4000, s31;
	s1 =	sadd.s32 s1, s30  }
0xbc: {  	s0 =	sor.u32 s3, s0;
	s1 =	sshll.u32 s1, $0x11  }
0xbd: {  	s0 =	sor.u32 s1, s0  }
0xbe: {  	s0 =	sadd.s32 $0x8F2B, s0  }
0xbf: {  	[sflag:s0] =	ssyncadd.remote.s32 $0x1  }
0xc0: {  	_ =	sfence.sel $0xFFFF  }
0xc1: {  	[dreg:$0x0] =	wrdreg $0xFFFFFFFF;
	(pc) =	sbr.abs _section_cstart, $3  }
0xc2: {  	[dreg:$0x1] =	wrdreg $0xFFFFFFFF  }
0xc3: {  	_ =	task.clear_ibuf [dreg:s8], $0x2FFFF;
	_ =	strace $0x9FFFFFFF  }
0xc4: {  	(tm) =	ssettm $0x7FFFFFFF  }
0xc5: {  	_ =	shalt  }
tec
execute0_lowered:
.L_overlay_start_1:
0x0: {  	(tag) =	ssettag $0x1  }
0x1: {  	s0 =	rddreg [dreg:$0x0]  }
0x2: {  	s1 =	rddreg [dreg:$0x1]  }
0x3: {  	s2 =	rddreg [dreg:$0x2];
	s3 =	simm.s32 $0x0  }
0x4: {  	s8 =	stileid.u32;
	s5 =	srdreg.scid;
	s30 =	simm.s32 $0x15800  }
0x5: {  	s10 =	simm.s32 $0x19000;
	s14 =	simm.s32 $0x1AC00;
	s16 =	simm.s32 $0x1  }
0x6: {  	s18 =	simm.s32 $0x1C800;
	s20 =	simm.s32 $0x1E400;
	s22 =	simm.s32 $0x2  }
0x7: {  	s24 =	simm.s32 $0x9;
	s29 =	simm.s32 $0xA;
	s31 =	simm.s32 $0x4  }
0x8: {  	s12 =	simm.s32 $0x5;
	s9 =	simm.s32 $0xE;
	s11 =	simm.s32 $0x8  }
0x9: {  	s13 =	simm.s32 $0xF;
	s19 =	simm.s32 $0x0;
	[smem:$0x7FF] =	sst s3  }
0xa: {  	s4 =	smul.u32 $0x38000, s8;
	s5 =	sand.u32 $0x1, s5;
	s8 =	sshll.u32 s8, $0xC  }
0xb: {  	_ =	strace $0x80000047;
	s25 =	ssub.s32 $0x2, s5;
	s6 =	smul.u32 $0x1C000, s5  }
0xc: {  	s5 =	sshll.u32 s5, $0xB;
	s2 =	sadd.s32 s4, s2;
	s7 =	sshrl.u32 s25, $0x1  }
0xd: {  	s5 =	sor.u32 s5, s8;
	s8 =	simm.s32 $0x32;
	s4 =	ssub.s32 s25, s7  }
.Ltmp0:
0xe: {  	s2 =	sadd.s32 s6, s2;
	s0 =	sadd.s32 s0, s5;
	(pc) =	sbr.rel .LBB2_1-.Ltmp0, $4  }
0xf: {  	s5 =	simm.s32 $0x6;
	s6 =	simm.s32 $0xD;
	s7 =	simm.s32 $0x7  }
0x10: {  	[dreg:$0x4] =	wrdreg s0;
	s26 =	smax.u32 s4, $0x1;
	s28 =	sadd.s32 $0x400, s2  }
0x11: {  	s0 =	simm.s32 $0x17400;
	s2 =	simm.s32 $0xB;
	[dreg:$0x5] =	wrdreg s26  }
0x12: {  	s4 =	simm.s32 $0xC;
	[dreg:$0x6] =	wrdreg s28;
	s26 =	simm.s32 $0x3  }
.LBB2_4:
0x13: {  	s17 =	simm.s32 $0x10  }
0x14: {  	_ =	swait.ge [sflag:s17], $0x3200  }
0x15: {  	s19 =	rddreg [dreg:$0x7]  }
0x16: {  	s15 =	rddreg [dreg:$0x5];
	s19 =	sadd.s32 $0x1, s19  }
0x17: {  	p0 =	sne.s32 s19, s15  }
.Ltmp1:
0x18: {  	_ = 	snop;
	(pc) =	sbr.rel @!p0 .LBB2_5-.Ltmp1, $3  }
0x19: {  	_ =	sdelay $0x1  }
0x1a: {  	[sflag:s17] =	ssyncset.done $0x0  }
0x1b: {  	[sflag:s17] =	ssyncadd.s32 $0xFFFFCE00  }
.LBB2_1:
0x1c: {  	[dreg:$0x7] =	wrdreg s19  }
0x1d: {  	s15 =	rddreg [dreg:$0x4];
	s19 =	simm.s32 $0x11  }
0x1e: {  	[tilespmem:s3], [sflag:$0x11] =	stream.linear.gather [hbm4b:s15+s3], $0x4000, $0x38;
	v63 =	vld [tilespmem:$0x0]  }
0x1f: {  	_ =	swait.ge [sflag:s19], $0x4000  }
0x20: {  	[sflag:s19] =	ssyncset.done $0x0  }
0x21: {  	s21 =	simm.s32 $0x4000;
	[sflag:s19] =	ssyncadd.s32 $0xFFFFC000  }
0x22: {  	[tilespmem:s21], [sflag:$0x1] =	stream.indirect.gather [hbm4b:s1+s8], $0x80, s3, s8, $0xb8;
	v63 =	vld [tilespmem:$0x0]  }
0x23: {  	s23 =	simm.s32 $0x80;
	s17 =	simm.s32 $0x5C00  }
0x24: {  	[tilespmem:s17], [sflag:$0x1] =	stream.indirect.gather [hbm4b:s1+s8], $0x80, s23, s8, $0xb8;
	v63 =	vld [tilespmem:$0x0]  }
0x25: {  	s25 =	simm.s32 $0x100;
	s28 =	simm.s32 $0x7800  }
0x26: {  	[tilespmem:s28], [sflag:$0x2] =	stream.indirect.gather [hbm4b:s1+s8], $0x80, s25, s8, $0xb8;
	v63 =	vld [tilespmem:$0x0]  }
0x27: {  	s19 =	simm.s32 $0x9400;
	s17 =	simm.s32 $0x180  }
0x28: {  	[tilespmem:s19], [sflag:$0x2] =	stream.indirect.gather [hbm4b:s1+s8], $0x80, s17, s8, $0xb8;
	v63 =	vld [tilespmem:$0x0]  }
0x29: {  	s21 =	simm.s32 $0x200;
	s23 =	simm.s32 $0xB000  }
0x2a: {  	[tilespmem:s23], [sflag:$0x3] =	stream.indirect.gather [hbm4b:s1+s8], $0x80, s21, s8, $0xb8;
	v63 =	vld [tilespmem:$0x0]  }
0x2b: {  	s25 =	simm.s32 $0x280;
	s28 =	simm.s32 $0xCC00  }
0x2c: {  	[tilespmem:s28], [sflag:$0x3] =	stream.indirect.gather [hbm4b:s1+s8], $0x80, s25, s8, $0xb8;
	v63 =	vld [tilespmem:$0x0]  }
0x2d: {  	s17 =	simm.s32 $0x300;
	s19 =	simm.s32 $0xE800  }
0x2e: {  	[tilespmem:s19], [sflag:$0x4] =	stream.indirect.gather [hbm4b:s1+s8], $0x80, s17, s8, $0xb8;
	v63 =	vld [tilespmem:$0x0]  }
0x2f: {  	s21 =	simm.s32 $0x380;
	s23 =	simm.s32 $0x10400  }
0x30: {  	[tilespmem:s23], [sflag:$0x4] =	stream.indirect.gather [hbm4b:s1+s8], $0x80, s21, s8, $0xb8;
	v63 =	vld [tilespmem:$0x0]  }
0x31: {  	s25 =	simm.s32 $0x400;
	s28 =	simm.s32 $0x12000  }
0x32: {  	[tilespmem:s28], [sflag:$0x5] =	stream.indirect.gather [hbm4b:s1+s8], $0x80, s25, s8, $0xb8;
	v63 =	vld [tilespmem:$0x0]  }
0x33: {  	s17 =	simm.s32 $0x480;
	s19 =	simm.s32 $0x13C00  }
0x34: {  	[tilespmem:s19], [sflag:$0x5] =	stream.indirect.gather [hbm4b:s1+s8], $0x80, s17, s8, $0xb8;
	v63 =	vld [tilespmem:$0x0]  }
0x35: {  	s21 =	simm.s32 $0x500  }
0x36: {  	[tilespmem:s30], [sflag:$0x6] =	stream.indirect.gather [hbm4b:s1+s8], $0x80, s21, s8, $0xb8;
	v63 =	vld [tilespmem:$0x0]  }
0x37: {  	s23 =	simm.s32 $0x580  }
0x38: {  	[tilespmem:s0], [sflag:$0x6] =	stream.indirect.gather [hbm4b:s1+s8], $0x80, s23, s8, $0xb8;
	v63 =	vld [tilespmem:$0x0]  }
0x39: {  	s25 =	simm.s32 $0x600  }
0x3a: {  	[tilespmem:s10], [sflag:$0x7] =	stream.indirect.gather [hbm4b:s1+s8], $0x80, s25, s8, $0xb8;
	v63 =	vld [tilespmem:$0x0]  }
0x3b: {  	s15 =	rddreg [dreg:$0x6];
	s28 =	simm.s32 $0x680;
	s17 =	simm.s32 $0x0  }
0x3c: {  	[tilespmem:s14], [sflag:$0x7] =	stream.indirect.gather [hbm4b:s1+s8], $0x80, s28, s8, $0xb8;
	v63 =	vld [tilespmem:$0x0]  }
.LBB2_2:
0x3d: {  	_ =	swait.ge [sflag:s16], $0x1900  }
0x3e: {  	[sflag:s16] =	ssyncset.done $0x0  }
0x3f: {  	[sflag:s16] =	ssyncadd.s32 $0xFFFFE700  }
0x40: {  	_ =	swait.ge [sflag:s16], $0x1900  }
0x41: {  	[sflag:s16] =	ssyncset.done $0x0  }
0x42: {  	s19 =	simm.s32 $0x4000;
	[sflag:s16] =	ssyncadd.s32 $0xFFFFE700  }
0x43: {  	[hbm4b:s15+s3] =	stream.linear.scatter [tilespmem:s19], [sflag:$0x9], $0x1900, $0x38;
	v63 =	vld [tilespmem:$0x0]  }
0x44: {  	s28 =	sadd.s32 $0x380, s15;
	s21 =	simm.s32 $0x5C00;
	p0 =	seq.s32 s17, $0x0  }
0x45: {  	[hbm4b:s28+s3] =	stream.linear.scatter [tilespmem:s21], [sflag:$0x9], $0x1900, $0x38;
	v63 =	vld [tilespmem:$0x0]  }
0x46: {  	s21 =	simm.s32 @!p0 $0x10  }
0x47: {  	_ =	swait.ge @!p0 [sflag:s21], $0x3200  }
0x48: {  	s19 =	sshra.s32 s17, $0x2;
	[sflag:s21] =	ssyncset.done @!p0 $0x0  }
0x49: {  	s23 =	sadd.s32 $0x700, s19;
	[sflag:s21] =	ssyncadd.s32 @!p0 $0xFFFFCE00  }
0x4a: {  	[tilespmem:s18], [sflag:$0x8] =	stream.indirect.gather [hbm4b:s1+s8], $0x80, s23, s8, $0xb8;
	v63 =	vld [tilespmem:$0x0]  }
0x4b: {  	s25 =	sadd.s32 $0x780, s19  }
0x4c: {  	[tilespmem:s20], [sflag:$0x8] =	stream.indirect.gather [hbm4b:s1+s8], $0x80, s25, s8, $0xb8;
	v63 =	vld [tilespmem:$0x0]  }
0x4d: {  	_ =	swait.ge [sflag:s22], $0x1900  }
0x4e: {  	[sflag:s22] =	ssyncset.done $0x0  }
0x4f: {  	[sflag:s22] =	ssyncadd.s32 $0xFFFFE700  }
0x50: {  	_ =	swait.ge [sflag:s22], $0x1900  }
0x51: {  	[sflag:s22] =	ssyncset.done $0x0  }
0x52: {  	s28 =	sadd.s32 $0x700, s15;
	s23 =	simm.s32 $0x7800;
	[sflag:s22] =	ssyncadd.s32 $0xFFFFE700  }
0x53: {  	[hbm4b:s28+s3] =	stream.linear.scatter [tilespmem:s23], [sflag:$0xA], $0x1900, $0x38;
	v63 =	vld [tilespmem:$0x0]  }
0x54: {  	s25 =	simm.s32 $0x9400;
	s23 =	sadd.s32 $0xA80, s15  }
0x55: {  	[hbm4b:s23+s3] =	stream.linear.scatter [tilespmem:s25], [sflag:$0xA], $0x1900, $0x38;
	v63 =	vld [tilespmem:$0x0]  }
0x56: {  	p0 =	seq.s32 s17, $0xE000;
	_ =	swait.ge [sflag:s24], $0x3200  }
0x57: {  	s21 =	sshra.s32 @!p0 s17, $0x2;
	s28 =	simm.s32 @!p0 $0x4000;
	[sflag:s24] =	ssyncset.done $0x0  }
0x58: {  	s25 =	sadd.s32 @!p0 $0x800, s21;
	s23 =	simm.s32 @!p0 $0x32;
	[sflag:s24] =	ssyncadd.s32 $0xFFFFCE00  }
0x59: {  	[tilespmem:s28], [sflag:$0x1] =	stream.indirect.gather @!p0 [hbm4b:s1+s23], $0x80, s25, s23, $0xb8;
	v63 =	vld [tilespmem:$0x0]  }
0x5a: {  	s25 =	sadd.s32 @!p0 $0x880, s21;
	s28 =	simm.s32 @!p0 $0x5C00  }
0x5b: {  	[tilespmem:s28], [sflag:$0x1] =	stream.indirect.gather @!p0 [hbm4b:s1+s23], $0x80, s25, s23, $0xb8;
	v63 =	vld [tilespmem:$0x0]  }
0x5c: {  	_ =	swait.ge [sflag:s26], $0x1900  }
0x5d: {  	[sflag:s26] =	ssyncset.done $0x0  }
0x5e: {  	[sflag:s26] =	ssyncadd.s32 $0xFFFFE700  }
0x5f: {  	_ =	swait.ge [sflag:s26], $0x1900  }
0x60: {  	[sflag:s26] =	ssyncset.done $0x0  }
0x61: {  	s25 =	sadd.s32 $0xE00, s15;
	s28 =	simm.s32 $0xB000;
	[sflag:s26] =	ssyncadd.s32 $0xFFFFE700  }
0x62: {  	[hbm4b:s25+s3] =	stream.linear.scatter [tilespmem:s28], [sflag:$0xB], $0x1900, $0x38;
	v63 =	vld [tilespmem:$0x0]  }
0x63: {  	s25 =	sadd.s32 $0x1180, s15;
	s28 =	simm.s32 $0xCC00  }
0x64: {  	[hbm4b:s25+s3] =	stream.linear.scatter [tilespmem:s28], [sflag:$0xB], $0x1900, $0x38;
	v63 =	vld [tilespmem:$0x0]  }
0x65: {  	_ =	swait.ge [sflag:s29], $0x3200  }
0x66: {  	[sflag:s29] =	ssyncset.done $0x0  }
0x67: {  	s25 =	sadd.s32 @!p0 $0x900, s21;
	s28 =	simm.s32 @!p0 $0x7800;
	[sflag:s29] =	ssyncadd.s32 $0xFFFFCE00  }
0x68: {  	[tilespmem:s28], [sflag:$0x2] =	stream.indirect.gather @!p0 [hbm4b:s1+s23], $0x80, s25, s23, $0xb8;
	v63 =	vld [tilespmem:$0x0]  }
0x69: {  	s25 =	sadd.s32 @!p0 $0x980, s21;
	s28 =	simm.s32 @!p0 $0x9400  }
0x6a: {  	[tilespmem:s28], [sflag:$0x2] =	stream.indirect.gather @!p0 [hbm4b:s1+s23], $0x80, s25, s23, $0xb8;
	v63 =	vld [tilespmem:$0x0]  }
0x6b: {  	_ =	swait.ge [sflag:s31], $0x1900  }
0x6c: {  	[sflag:s31] =	ssyncset.done $0x0  }
0x6d: {  	[sflag:s31] =	ssyncadd.s32 $0xFFFFE700  }
0x6e: {  	_ =	swait.ge [sflag:s31], $0x1900  }
0x6f: {  	[sflag:s31] =	ssyncset.done $0x0  }
0x70: {  	s25 =	sadd.s32 $0x1500, s15;
	s28 =	simm.s32 $0xE800;
	[sflag:s31] =	ssyncadd.s32 $0xFFFFE700  }
0x71: {  	[hbm4b:s25+s3] =	stream.linear.scatter [tilespmem:s28], [sflag:$0xC], $0x1900, $0x38;
	v63 =	vld [tilespmem:$0x0]  }
0x72: {  	s25 =	sadd.s32 $0x1880, s15;
	s28 =	simm.s32 $0x10400  }
0x73: {  	[hbm4b:s25+s3] =	stream.linear.scatter [tilespmem:s28], [sflag:$0xC], $0x1900, $0x38;
	v63 =	vld [tilespmem:$0x0]  }
0x74: {  	_ =	swait.ge [sflag:s2], $0x3200  }
0x75: {  	[sflag:s2] =	ssyncset.done $0x0  }
0x76: {  	s25 =	sadd.s32 @!p0 $0xA00, s21;
	s28 =	simm.s32 @!p0 $0xB000;
	[sflag:s2] =	ssyncadd.s32 $0xFFFFCE00  }
0x77: {  	[tilespmem:s28], [sflag:$0x3] =	stream.indirect.gather @!p0 [hbm4b:s1+s23], $0x80, s25, s23, $0xb8;
	v63 =	vld [tilespmem:$0x0]  }
0x78: {  	s25 =	sadd.s32 @!p0 $0xA80, s21;
	s28 =	simm.s32 @!p0 $0xCC00  }
0x79: {  	[tilespmem:s28], [sflag:$0x3] =	stream.indirect.gather @!p0 [hbm4b:s1+s23], $0x80, s25, s23, $0xb8;
	v63 =	vld [tilespmem:$0x0]  }
0x7a: {  	_ =	swait.ge [sflag:s12], $0x1900  }
0x7b: {  	[sflag:s12] =	ssyncset.done $0x0  }
0x7c: {  	[sflag:s12] =	ssyncadd.s32 $0xFFFFE700  }
0x7d: {  	_ =	swait.ge [sflag:s12], $0x1900  }
0x7e: {  	[sflag:s12] =	ssyncset.done $0x0  }
0x7f: {  	s25 =	sadd.s32 $0x1C00, s15;
	s28 =	simm.s32 $0x12000;
	[sflag:s12] =	ssyncadd.s32 $0xFFFFE700  }
0x80: {  	[hbm4b:s25+s3] =	stream.linear.scatter [tilespmem:s28], [sflag:$0xD], $0x1900, $0x38;
	v63 =	vld [tilespmem:$0x0]  }
0x81: {  	s25 =	sadd.s32 $0x1F80, s15;
	s28 =	simm.s32 $0x13C00  }
0x82: {  	[hbm4b:s25+s3] =	stream.linear.scatter [tilespmem:s28], [sflag:$0xD], $0x1900, $0x38;
	v63 =	vld [tilespmem:$0x0]  }
0x83: {  	_ =	swait.ge [sflag:s4], $0x3200  }
0x84: {  	[sflag:s4] =	ssyncset.done $0x0  }
0x85: {  	s25 =	sadd.s32 @!p0 $0xB00, s21;
	s28 =	simm.s32 @!p0 $0xE800;
	[sflag:s4] =	ssyncadd.s32 $0xFFFFCE00  }
0x86: {  	[tilespmem:s28], [sflag:$0x4] =	stream.indirect.gather @!p0 [hbm4b:s1+s23], $0x80, s25, s23, $0xb8;
	v63 =	vld [tilespmem:$0x0]  }
0x87: {  	s25 =	sadd.s32 @!p0 $0xB80, s21;
	s28 =	simm.s32 @!p0 $0x10400  }
0x88: {  	[tilespmem:s28], [sflag:$0x4] =	stream.indirect.gather @!p0 [hbm4b:s1+s23], $0x80, s25, s23, $0xb8;
	v63 =	vld [tilespmem:$0x0]  }
0x89: {  	_ =	swait.ge [sflag:s5], $0x1900  }
0x8a: {  	[sflag:s5] =	ssyncset.done $0x0  }
0x8b: {  	[sflag:s5] =	ssyncadd.s32 $0xFFFFE700  }
0x8c: {  	_ =	swait.ge [sflag:s5], $0x1900  }
0x8d: {  	[sflag:s5] =	ssyncset.done $0x0  }
0x8e: {  	s28 =	sadd.s32 $0x2300, s15;
	[sflag:s5] =	ssyncadd.s32 $0xFFFFE700  }
0x8f: {  	[hbm4b:s28+s3] =	stream.linear.scatter [tilespmem:s30], [sflag:$0xE], $0x1900, $0x38;
	v63 =	vld [tilespmem:$0x0]  }
0x90: {  	s28 =	sadd.s32 $0x2680, s15  }
0x91: {  	[hbm4b:s28+s3] =	stream.linear.scatter [tilespmem:s0], [sflag:$0xE], $0x1900, $0x38;
	v63 =	vld [tilespmem:$0x0]  }
0x92: {  	_ =	swait.ge [sflag:s6], $0x3200  }
0x93: {  	[sflag:s6] =	ssyncset.done $0x0  }
0x94: {  	s25 =	sadd.s32 @!p0 $0xC00, s21;
	s28 =	simm.s32 @!p0 $0x12000;
	[sflag:s6] =	ssyncadd.s32 $0xFFFFCE00  }
0x95: {  	[tilespmem:s28], [sflag:$0x5] =	stream.indirect.gather @!p0 [hbm4b:s1+s23], $0x80, s25, s23, $0xb8;
	v63 =	vld [tilespmem:$0x0]  }
0x96: {  	s25 =	sadd.s32 @!p0 $0xC80, s21;
	s28 =	simm.s32 @!p0 $0x13C00  }
0x97: {  	[tilespmem:s28], [sflag:$0x5] =	stream.indirect.gather @!p0 [hbm4b:s1+s23], $0x80, s25, s23, $0xb8;
	v63 =	vld [tilespmem:$0x0]  }
0x98: {  	_ =	swait.ge [sflag:s7], $0x1900  }
0x99: {  	[sflag:s7] =	ssyncset.done $0x0  }
0x9a: {  	[sflag:s7] =	ssyncadd.s32 $0xFFFFE700  }
0x9b: {  	_ =	swait.ge [sflag:s7], $0x1900  }
0x9c: {  	[sflag:s7] =	ssyncset.done $0x0  }
0x9d: {  	s28 =	sadd.s32 $0x2A00, s15;
	[sflag:s7] =	ssyncadd.s32 $0xFFFFE700  }
0x9e: {  	[hbm4b:s28+s3] =	stream.linear.scatter [tilespmem:s10], [sflag:$0xF], $0x1900, $0x38;
	v63 =	vld [tilespmem:$0x0]  }
0x9f: {  	s28 =	sadd.s32 $0x2D80, s15  }
0xa0: {  	[hbm4b:s28+s3] =	stream.linear.scatter [tilespmem:s14], [sflag:$0xF], $0x1900, $0x38;
	v63 =	vld [tilespmem:$0x0]  }
0xa1: {  	_ =	swait.ge [sflag:s9], $0x3200  }
0xa2: {  	[sflag:s9] =	ssyncset.done $0x0  }
0xa3: {  	s25 =	sadd.s32 @!p0 $0xD00, s21;
	s28 =	simm.s32 @!p0 $0x15800;
	[sflag:s9] =	ssyncadd.s32 $0xFFFFCE00  }
0xa4: {  	[tilespmem:s28], [sflag:$0x6] =	stream.indirect.gather @!p0 [hbm4b:s1+s23], $0x80, s25, s23, $0xb8;
	v63 =	vld [tilespmem:$0x0]  }
0xa5: {  	s21 =	sadd.s32 @!p0 $0xD80, s21;
	s25 =	simm.s32 @!p0 $0x17400  }
0xa6: {  	[tilespmem:s25], [sflag:$0x6] =	stream.indirect.gather @!p0 [hbm4b:s1+s23], $0x80, s21, s23, $0xb8;
	v63 =	vld [tilespmem:$0x0]  }
0xa7: {  	_ =	swait.ge [sflag:s11], $0x1900  }
0xa8: {  	[sflag:s11] =	ssyncset.done $0x0  }
0xa9: {  	[sflag:s11] =	ssyncadd.s32 $0xFFFFE700  }
0xaa: {  	_ =	swait.ge [sflag:s11], $0x1900  }
0xab: {  	[sflag:s11] =	ssyncset.done $0x0  }
0xac: {  	s25 =	sadd.s32 $0x3100, s15;
	[sflag:s11] =	ssyncadd.s32 $0xFFFFE700  }
0xad: {  	[hbm4b:s25+s3] =	stream.linear.scatter [tilespmem:s18], [sflag:$0x10], $0x1900, $0x38;
	v63 =	vld [tilespmem:$0x0]  }
.Ltmp2:
0xae: {  	s28 =	sadd.s32 $0x3480, s15;
	(pc) =	sbr.rel @p0 .LBB2_4-.Ltmp2, $4  }
0xaf: {  	[hbm4b:s28+s3] =	stream.linear.scatter [tilespmem:s20], [sflag:$0x10], $0x1900, $0x38;
	v63 =	vld [tilespmem:$0x0]  }
0xb0: {  	_ =	swait.ge [sflag:s13], $0x3200  }
0xb1: {  	[sflag:s13] =	ssyncset.done $0x0  }
0xb2: {  	[sflag:s13] =	ssyncadd.s32 $0xFFFFCE00  }
.Ltmp3:
0xb3: {  	(pc) =	sbr.rel .LBB2_2-.Ltmp3, $4  }
0xb4: {  	s21 =	sadd.s32 $0xE00, s19  }
0xb5: {  	[tilespmem:s10], [sflag:$0x7] =	stream.indirect.gather [hbm4b:s1+s8], $0x80, s21, s8, $0xb8;
	v63 =	vld [tilespmem:$0x0]  }
0xb6: {  	s28 =	sadd.s32 $0xE80, s19;
	s17 =	sadd.s32 $0x2000, s17;
	s15 =	sadd.s32 $0x3800, s15  }
0xb7: {  	[tilespmem:s14], [sflag:$0x7] =	stream.indirect.gather [hbm4b:s1+s8], $0x80, s28, s8, $0xb8;
	v63 =	vld [tilespmem:$0x0]  }
.LBB2_5:
0xb8: {  	_ =	sfence.sel $0x180000  }
0xb9: {  	[bflag:$0x0] =	sbarrier.arrive $0xFFFF  }
0xba: {  	_ =	strace $0x90000047  }
0xbb: {  	s0 =	stileid.u32;
	[bflag:$0x2] =	sbarrier.arrive $0xFFFF  }
0xbc: {  	p0 =	sne.s32 s0, $0x0;
	s0 =	rddreg [dreg:$0x3]  }
0xbd: {  	s0 =	sadd.s32 @!p0 $0x100000, s0  }
0xbe: {  	[sflag:s0] =	ssyncadd.tile.s32 @!p0 $0x1;
	_ =	shalt  }
.Lfunc_end2:
_tile_overlayer_lowered:
.L_overlay_start_2:
0xbf: {  	(tag) =	ssettag $0x2  }
0xc0: {  	s0 =	rddreg [dreg:$0x0];
	s2 =	stileid.u32  }
0xc1: {  	s1 =	rddreg [dreg:$0x1];
	p0 =	sne.s32 s2, $0x0  }
0xc2: {  	s3 =	rddreg [dreg:$0x2];
	[bflag:$0x3] =	sbarrier.arrive $0xFFFF;
	s2 =	simm.s32 @!p0 $0x1C11  }
0xc3: {  	[timem:s3], [sflag:s2] =	dma.local @!p0 [hbm:s0], s1  }
0xc4: {  	s0 =	simm.s32 @!p0 $0x11  }
0xc5: {  	_ =	swait.ge @!p0 [sflag:s0], s1  }
0xc6: {  	s1 =	ssub.s32 @!p0 $0x0, s1;
	[sflag:s0] =	ssyncset.done @!p0 $0x0  }
0xc7: {  	[sflag:s0] =	ssyncadd.s32 @!p0 s1  }
0xc8: {  	[bflag:$0x3] =	sbarrier.arrive $0xFFFF  }
0xc9: {  	_ =	shalt  }

</sc_bundles>
